<compile_context>
chip_gen: v7x
topology: tpu7x:2x2x1
jax: 0.10.2.dev20260603
libtpu: 0.0.44.dev20260713+nightly
codegen_flags: <defaults>
</compile_context>

<pallas_src>
import functools

import jax
import jax.numpy as jnp
from jax import lax
from jax.experimental import pallas as pl
from jax.experimental.pallas import tpu as pltpu
from jax.experimental.pallas import tpu_sc as plsc

_NUM_CLASSES = 1000
_DATASET_LEN = 100000
_BATCH = 4096
_TOTAL_EPOCHS = 300
_ALPHA_T = 0.8
_EPOCH_CONST = 5
_ALPHA = _ALPHA_T * ((_EPOCH_CONST + 1) / _TOTAL_EPOCHS)

_NC = 2
_NS = 16
_NW = _NC * _NS
_BLK = 512
_NBLK = _BATCH // _BLK
_LANES = 16
_NVEC = _BATCH // _LANES


def _prep_body(idx_col_ref, idx_row_ref, outT_ref, npT_ref, win_ref):
    x = outT_ref[...]
    m = jnp.max(x, axis=0, keepdims=True)
    e = jnp.exp(x - m)
    npT_ref[...] = e / jnp.sum(e, axis=0, keepdims=True)

    mine = idx_col_ref[...]
    alls = idx_row_ref[...]
    eq = mine == alls
    slot = lax.broadcasted_iota(jnp.int32, (_BLK, _BATCH), 1)
    win = jnp.max(jnp.where(eq, slot, -1), axis=1, keepdims=True)
    myslot = (lax.broadcasted_iota(jnp.int32, (_BLK, 1), 0)
              + pl.program_id(0) * _BLK)
    win_ref[...] = jnp.where(win == myslot, mine, -1 - mine)


def _tc_prep(idx_col, idx_row, outputsT):
    return pl.pallas_call(
        _prep_body,
        grid=(_NBLK,),
        in_specs=[
            pl.BlockSpec((_BLK, 1), lambda i: (i, 0)),
            pl.BlockSpec((1, _BATCH), lambda i: (0, 0)),
            pl.BlockSpec((_NUM_CLASSES, _BLK), lambda i: (0, i)),
        ],
        out_specs=[
            pl.BlockSpec((_NUM_CLASSES, _BLK), lambda i: (0, i)),
            pl.BlockSpec((_BLK, 1), lambda i: (i, 0)),
        ],
        out_shape=[
            jax.ShapeDtypeStruct((_NUM_CLASSES, _BATCH), jnp.float32),
            jax.ShapeDtypeStruct((_BATCH, 1), jnp.int32),
        ],
    )(idx_col, idx_row, outputsT)


def _loss_body(alpha_ref, outT_ref, tgtT_ref, gatT_ref, loss_ref):
    a = alpha_ref[0, 0]
    x = outT_ref[...]
    m = jnp.max(x, axis=0, keepdims=True)
    e = jnp.exp(x - m)
    logp = (x - m) - jnp.log(jnp.sum(e, axis=0, keepdims=True))
    soft = (1.0 - a) * tgtT_ref[...] + a * gatT_ref[...]
    part = -jnp.sum(soft * logp) * (1.0 / _BATCH)

    @pl.when(pl.program_id(0) == 0)
    def _():
        loss_ref[0, 0] = 0.0

    loss_ref[0, 0] += part


def _tc_loss(alpha, outputsT, targetsT, gatheredT):
    return pl.pallas_call(
        _loss_body,
        grid=(_NBLK,),
        in_specs=[
            pl.BlockSpec(memory_space=pltpu.SMEM),
            pl.BlockSpec((_NUM_CLASSES, _BLK), lambda i: (0, i)),
            pl.BlockSpec((_NUM_CLASSES, _BLK), lambda i: (0, i)),
            pl.BlockSpec((_NUM_CLASSES, _BLK), lambda i: (0, i)),
        ],
        out_specs=pl.BlockSpec(memory_space=pltpu.SMEM),
        out_shape=jax.ShapeDtypeStruct((1, 1), jnp.float32),
    )(alpha, outputsT, targetsT, gatheredT)


_MESH = plsc.VectorSubcoreMesh(core_axis_name="c", subcore_axis_name="s")

_CHUNK_LO = (0, 49920)
_CHUNK_SZ = (49920, 50080)


@functools.partial(
    pl.kernel,
    mesh=_MESH,
    out_type=(
        jax.ShapeDtypeStruct((_NUM_CLASSES, _DATASET_LEN), jnp.float32),
        jax.ShapeDtypeStruct((_NUM_CLASSES, _BATCH), jnp.float32),
    ),
    compiler_params=pltpu.CompilerParams(needs_layout_passes=False),
    scratch_types=[
        pltpu.VMEM((_CHUNK_SZ[0],), jnp.float32),
        pltpu.VMEM((_CHUNK_SZ[1],), jnp.float32),
        pltpu.VMEM((_BATCH,), jnp.float32),
        pltpu.VMEM((_BATCH,), jnp.float32),
        pltpu.VMEM((_BATCH,), jnp.int32),
        pltpu.VMEM((_BATCH,), jnp.int32),
        pltpu.VMEM((_BATCH,), jnp.int32),
        pltpu.SemaphoreType.DMA,
        pltpu.SemaphoreType.DMA,
        pltpu.SemaphoreType.DMA,
        pltpu.SemaphoreType.DMA,
        pltpu.SemaphoreType.DMA,
        pltpu.SemaphoreType.DMA,
    ],
)
def _sc_fused(apT_hbm, npT_hbm, enc_hbm, outT_hbm, gatT_hbm,
              b0, b1, gar_v, npr_v, enc_v, ge0_v, ge1_v, si0, si1, so0, so1,
              snp, sgr):
    bufs = (b0, b1)
    gencs = (ge0_v, ge1_v)
    sin = (si0, si1)
    sout = (so0, so1)
    w = lax.axis_index("s") * _NC + lax.axis_index("c")
    pltpu.sync_copy(enc_hbm, enc_v)
    nrows = jnp.where(w < _NUM_CLASSES % _NW, _NUM_CLASSES // _NW + 1,
                      _NUM_CLASSES // _NW)

    for q in range(2):
        pltpu.async_copy(apT_hbm.at[w, pl.ds(_CHUNK_LO[q], _CHUNK_SZ[q])],
                         bufs[q], sin[q])
    pltpu.async_copy(npT_hbm.at[w], npr_v, snp)

    for q in range(2):
        lo = _CHUNK_LO[q]
        sz = _CHUNK_SZ[q]
        geq = gencs[q]

        def pre_body(j, _, lo=lo, sz=sz, geq=geq):
            sl = pl.ds(j * _LANES, _LANES)
            ev = enc_v[sl]
            winb = ev >= 0
            riv = jnp.where(winb, ev, -1 - ev)
            m = (riv >= lo) & (riv < lo + sz)
            lidx = riv - lo
            lidx = jnp.minimum(jnp.maximum(lidx, 0), sz - 1)
            packed = (lidx
                      + jnp.where(m, 65536, 0)
                      + jnp.where(m & winb, 131072, 0))
            geq[sl] = packed
            return 0

        lax.fori_loop(0, _NVEC, pre_body, 0)

    def row_body(t, _):
        c = w + _NW * t
        pltpu.make_async_copy(npT_hbm.at[c], npr_v, snp).wait()
        @pl.when(t > 0)
        def _():
            pltpu.make_async_copy(gar_v, gatT_hbm.at[c], sgr).wait()
        for q in range(2):
            lo = _CHUNK_LO[q]
            sz = _CHUNK_SZ[q]
            bq = bufs[q]
            pltpu.make_async_copy(
                apT_hbm.at[c, pl.ds(lo, sz)], bq, sin[q]).wait()

            geq = gencs[q]

            @plsc.parallel_loop(0, _NVEC)
            def _(j, bq=bq, q=q, geq=geq):
                sl = pl.ds(j * _LANES, _LANES)
                ge = geq[sl]
                lidx = ge & 65535
                m = (ge & 65536) != 0
                vals = plsc.load_gather(bq, [lidx], mask=m)
                if q == 0:
                    gar_v[sl] = vals
                else:
                    gar_v[sl] = jnp.where(m, vals, gar_v[sl])

            @plsc.parallel_loop(0, _NVEC)
            def _(j, bq=bq, geq=geq):
                sl = pl.ds(j * _LANES, _LANES)
                ge = geq[sl]
                lidx = ge & 65535
                sm = (ge & 131072) != 0
                sval = npr_v[sl]
                plsc.store_scatter(bq, [lidx], sval, mask=sm)
            pltpu.async_copy(bq, outT_hbm.at[c, pl.ds(lo, sz)], sout[q])
        pltpu.async_copy(gar_v, gatT_hbm.at[c], sgr)

        @pl.when(t + 1 < nrows)
        def _():
            cn = c + _NW
            pltpu.async_copy(npT_hbm.at[cn], npr_v, snp)
            for q in range(2):
                lo = _CHUNK_LO[q]
                sz = _CHUNK_SZ[q]
                pltpu.make_async_copy(
                    bufs[q], outT_hbm.at[c, pl.ds(lo, sz)],
                    sout[q]).wait()
                pltpu.async_copy(apT_hbm.at[cn, pl.ds(lo, sz)],
                                 bufs[q], sin[q])
        return 0

    lax.fori_loop(0, nrows, row_body, 0)

    clast = w + _NW * (nrows - 1)
    pltpu.make_async_copy(gar_v, gatT_hbm.at[clast], sgr).wait()
    for q in range(2):
        pltpu.make_async_copy(
            bufs[q], outT_hbm.at[clast, pl.ds(_CHUNK_LO[q], _CHUNK_SZ[q])],
            sout[q]).wait()


def kernel(samples, outputs, targets, all_predictions, input_indices, epoch):
    del samples
    alpha = jnp.where(jnp.asarray(epoch) == 0, 0.0, _ALPHA)
    alpha = jnp.asarray(alpha, jnp.float32).reshape(1, 1)

    apT = all_predictions.T
    outputsT = outputs.T
    targetsT = targets.T

    idx_col = input_indices.reshape(_BATCH, 1)
    idx_row = input_indices.reshape(1, _BATCH)

    newpT, enc = _tc_prep(idx_col, idx_row, outputsT)
    outT, gatheredT = _sc_fused(apT, newpT, enc.reshape(_BATCH))
    loss = _tc_loss(alpha, outputsT, targetsT, gatheredT)[0, 0]
    return loss, outT.T

# --- scband reference (transcript-rebuilt; emitter-appended) ---
"""Pipeline reference for scband-pskdloss-87643102642733 (READ-ONLY COPY).

The authoritative reference and input builder live on the scoring server;
editing this copy changes nothing except your own understanding.
"""

import jax, jax.numpy as jnp
import numpy as np

NUM_CLASSES = 1000
DATASET_LEN = 100000
BATCH = 4096
FEAT = 768
TOTAL_EPOCHS = 300
ALPHA_T = 0.8
EPOCH = 5


def setup_inputs(seed: int = 0) -> dict:
    key = jax.random.key(seed)
    k1, k2, k3, k4, k5 = jax.random.split(key, 5)
    samples = jax.random.normal(k1, (BATCH, FEAT), dtype=jnp.float32)
    outputs = jax.random.normal(k2, (BATCH, NUM_CLASSES), dtype=jnp.float32)
    targets = jax.random.uniform(k3, (BATCH, NUM_CLASSES), dtype=jnp.float32)
    targets = targets / jnp.sum(targets, axis=1, keepdims=True)
    all_predictions = jax.random.uniform(k4, (DATASET_LEN, NUM_CLASSES), dtype=jnp.float32)
    all_predictions = all_predictions / jnp.sum(all_predictions, axis=1, keepdims=True)
    input_indices = jax.random.randint(k5, (BATCH,), 0, DATASET_LEN, dtype=jnp.int32)
    return {
        'samples': samples,
        'outputs': outputs,
        'targets': targets,
        'all_predictions': all_predictions,
        'input_indices': input_indices,
        'epoch': EPOCH,
    }


def _soft_target_cross_entropy(samples, outputs, soft_targets):
    # base_criterion: soft-target cross entropy (samples unused by the criterion math)
    logp = jax.nn.log_softmax(outputs, axis=-1)
    return jnp.mean(jnp.sum(-soft_targets * logp, axis=-1))


def reference(samples, outputs, targets, all_predictions, input_indices, epoch):
    # PSKDLoss.forward
    alpha_t = ALPHA_T * ((EPOCH + 1) / TOTAL_EPOCHS)
    alpha_t = max(0.0, alpha_t)
    # memory gather: all_predictions[input_indices]
    gathered = jnp.take(all_predictions, input_indices, axis=0)
    blended = (1.0 - alpha_t) * targets + alpha_t * gathered
    soft_targets = jnp.where(epoch == 0, targets, blended)
    loss = _soft_target_cross_entropy(samples, outputs, soft_targets)
    # state update (torch.no_grad): scatter-overwrite softmax(outputs) into the memory
    new_preds = jax.nn.softmax(jax.lax.stop_gradient(outputs), axis=1)
    all_predictions = all_predictions.at[input_indices].set(new_preds)
    return loss, all_predictions

if __name__ == "__main__":
    import jax
    _d = setup_inputs()
    print(jax.jit(kernel)(*tuple(_d.values())))

</pallas_src>

<mosaic_0001>
#map = affine_map<(d0, d1) -> (0, 0)>
#map1 = affine_map<(d0, d1) -> (0)>
module attributes {stable_mosaic.version = 14 : i64} {
  func.func @_sc_fused(%arg0: i32, %arg1: i32, %arg2: memref<1000x100000xf32, #tpu.memory_space<hbm>>, %arg3: memref<1000x4096xf32, #tpu.memory_space<hbm>>, %arg4: memref<4096xi32, #tpu.memory_space<hbm>>, %arg5: memref<1000x100000xf32, #tpu.memory_space<hbm>>, %arg6: memref<1000x4096xf32, #tpu.memory_space<hbm>>, %arg7: memref<49920xf32, #tpu.memory_space<vmem>>, %arg8: memref<50080xf32, #tpu.memory_space<vmem>>, %arg9: memref<4096xf32, #tpu.memory_space<vmem>>, %arg10: memref<4096xf32, #tpu.memory_space<vmem>>, %arg11: memref<4096xi32, #tpu.memory_space<vmem>>, %arg12: memref<4096xi32, #tpu.memory_space<vmem>>, %arg13: memref<4096xi32, #tpu.memory_space<vmem>>, %arg14: memref<!tpu.dma_semaphore, #tpu.memory_space<semaphore_mem>>, %arg15: memref<!tpu.dma_semaphore, #tpu.memory_space<semaphore_mem>>, %arg16: memref<!tpu.dma_semaphore, #tpu.memory_space<semaphore_mem>>, %arg17: memref<!tpu.dma_semaphore, #tpu.memory_space<semaphore_mem>>, %arg18: memref<!tpu.dma_semaphore, #tpu.memory_space<semaphore_mem>>, %arg19: memref<!tpu.dma_semaphore, #tpu.memory_space<semaphore_mem>>) attributes {dimension_semantics = [#tpu.dimension_semantics<core_parallel>, #tpu.dimension_semantics<subcore_parallel>], iteration_bounds = array<i64: 2, 16>, scalar_prefetch = 0 : i64, scratch_operands = 13 : i64, tpu.core_type = #tpu.core_type<sc_vector_subcore>, window_params = [{transform_indices = #map}, {transform_indices = #map}, {transform_indices = #map1}, {transform_indices = #map}, {transform_indices = #map}]} {
    %mul3A = arith.constant 2 : i32
    %mul3A_0 = arith.muli %arg1, %mul3A : i32
    %add3A = arith.addi %mul3A_0, %arg0 : i32
    "tpu.region"() ({
      %run_scoped3A = tpu.sem_alloc : memref<!tpu.dma_semaphore, #tpu.memory_space<semaphore_mem>>
      tpu.enqueue_dma source(%arg4 : memref<4096xi32, #tpu.memory_space<hbm>>) target(%arg11 : memref<4096xi32, #tpu.memory_space<vmem>>) target_semaphore(%run_scoped3A : memref<!tpu.dma_semaphore, #tpu.memory_space<semaphore_mem>>)
      tpu.wait_dma2 semaphore(%run_scoped3A : memref<!tpu.dma_semaphore, #tpu.memory_space<semaphore_mem>>) src(%arg4 : memref<4096xi32, #tpu.memory_space<hbm>>) dst(%arg11 : memref<4096xi32, #tpu.memory_space<vmem>>)
      tpu.yield
    }) : () -> ()
    %lt3A = arith.constant 8 : i32
    %lt3A_1 = arith.cmpi slt, %add3A, %lt3A : i32
    %jit3A = arith.constant 32 : i32
    %jit3A_2 = arith.constant 31 : i32
    %select_n3A = arith.select %lt3A_1, %jit3A, %jit3A_2 : i32
    %dma_start3A = arith.constant 0 : i32
    %dma_start3A_3 = tpu.memref_slice %arg2[%add3A, %dma_start3A] : memref<1000x100000xf32, #tpu.memory_space<hbm>> -> memref<1x49920xf32, #tpu.memory_space<hbm>>
    %dma_start3A_4 = tpu.memref_squeeze %dma_start3A_3 : memref<1x49920xf32, #tpu.memory_space<hbm>> -> memref<49920xf32, #tpu.memory_space<hbm>>
    %dma_start3A_5 = arith.constant 0 : i32
    %dma_start3A_6 = tpu.memref_slice %arg2[%add3A, %dma_start3A_5] : memref<1000x100000xf32, #tpu.memory_space<hbm>> -> memref<1x49920xf32, #tpu.memory_space<hbm>>
    %dma_start3A_7 = tpu.memref_squeeze %dma_start3A_6 : memref<1x49920xf32, #tpu.memory_space<hbm>> -> memref<49920xf32, #tpu.memory_space<hbm>>
    tpu.enqueue_dma source(%dma_start3A_7 : memref<49920xf32, #tpu.memory_space<hbm>>) target(%arg7 : memref<49920xf32, #tpu.memory_space<vmem>>) target_semaphore(%arg14 : memref<!tpu.dma_semaphore, #tpu.memory_space<semaphore_mem>>)
    %dma_start3A_8 = arith.constant 49920 : i32
    %dma_start3A_9 = tpu.memref_slice %arg2[%add3A, %dma_start3A_8] : memref<1000x100000xf32, #tpu.memory_space<hbm>> -> memref<1x50080xf32, #tpu.memory_space<hbm>>
    %dma_start3A_10 = tpu.memref_squeeze %dma_start3A_9 : memref<1x50080xf32, #tpu.memory_space<hbm>> -> memref<50080xf32, #tpu.memory_space<hbm>>
    %dma_start3A_11 = arith.constant 49920 : i32
    %dma_start3A_12 = tpu.memref_slice %arg2[%add3A, %dma_start3A_11] : memref<1000x100000xf32, #tpu.memory_space<hbm>> -> memref<1x50080xf32, #tpu.memory_space<hbm>>
    %dma_start3A_13 = tpu.memref_squeeze %dma_start3A_12 : memref<1x50080xf32, #tpu.memory_space<hbm>> -> memref<50080xf32, #tpu.memory_space<hbm>>
    tpu.enqueue_dma source(%dma_start3A_13 : memref<50080xf32, #tpu.memory_space<hbm>>) target(%arg8 : memref<50080xf32, #tpu.memory_space<vmem>>) target_semaphore(%arg15 : memref<!tpu.dma_semaphore, #tpu.memory_space<semaphore_mem>>)
    %dma_start3A_14 = arith.constant 0 : i32
    %dma_start3A_15 = tpu.memref_slice %arg3[%add3A, %dma_start3A_14] : memref<1000x4096xf32, #tpu.memory_space<hbm>> -> memref<1x4096xf32, #tpu.memory_space<hbm>>
    %dma_start3A_16 = tpu.memref_squeeze %dma_start3A_15 : memref<1x4096xf32, #tpu.memory_space<hbm>> -> memref<4096xf32, #tpu.memory_space<hbm>>
    %dma_start3A_17 = arith.constant 0 : i32
    %dma_start3A_18 = tpu.memref_slice %arg3[%add3A, %dma_start3A_17] : memref<1000x4096xf32, #tpu.memory_space<hbm>> -> memref<1x4096xf32, #tpu.memory_space<hbm>>
    %dma_start3A_19 = tpu.memref_squeeze %dma_start3A_18 : memref<1x4096xf32, #tpu.memory_space<hbm>> -> memref<4096xf32, #tpu.memory_space<hbm>>
    tpu.enqueue_dma source(%dma_start3A_19 : memref<4096xf32, #tpu.memory_space<hbm>>) target(%arg10 : memref<4096xf32, #tpu.memory_space<vmem>>) target_semaphore(%arg18 : memref<!tpu.dma_semaphore, #tpu.memory_space<semaphore_mem>>)
    %scan3A = arith.constant 0 : i32
    %scan3A_20 = arith.constant 0 : i32
    %scan3A_21 = arith.constant 256 : i32
    %scan3A_22 = arith.addi %scan3A_20, %scan3A_21 : i32
    %scan3A_23 = arith.constant 1 : i32
    %scan3A_24 = scf.for %scan3A_65 = %scan3A_20 to %scan3A_22 step %scan3A_23 iter_args(%scan3A_66 = %scan3A) -> (i32)  : i32 {
      %mul3A_67 = arith.constant 16 : i32
      %mul3A_68 = arith.muli %scan3A_65, %mul3A_67 : i32
      %get3A = arith.index_cast %mul3A_68 : i32 to index
      %get3A_69 = tpu.vector_load %arg11[%get3A] {strides = array<i32>} : memref<4096xi32, #tpu.memory_space<vmem>>, vector<16xi32>,
      %ge3A = arith.constant 0 : i32
      %ge3A_70 = vector.broadcast %ge3A : i32 to vector<16xi32>
      %ge3A_71 = arith.cmpi sge, %get3A_69, %ge3A_70 : vector<16xi32>
      %sub3A_72 = arith.constant -1 : i32
      %sub3A_73 = vector.broadcast %sub3A_72 : i32 to vector<16xi32>
      %sub3A_74 = arith.subi %sub3A_73, %get3A_69 : vector<16xi32>
      %select_n3A_75 = arith.select %ge3A_71, %get3A_69, %sub3A_74 : vector<16xi1>, vector<16xi32>
      %ge3A_76 = arith.constant 0 : i32
      %ge3A_77 = vector.broadcast %ge3A_76 : i32 to vector<16xi32>
      %ge3A_78 = arith.cmpi sge, %select_n3A_75, %ge3A_77 : vector<16xi32>
      %lt3A_79 = arith.constant 49920 : i32
      %lt3A_80 = vector.broadcast %lt3A_79 : i32 to vector<16xi32>
      %lt3A_81 = arith.cmpi slt, %select_n3A_75, %lt3A_80 : vector<16xi32>
      %and3A = arith.andi %ge3A_78, %lt3A_81 : vector<16xi1>
      %sub3A_82 = arith.constant 0 : i32
      %sub3A_83 = vector.broadcast %sub3A_82 : i32 to vector<16xi32>
      %sub3A_84 = arith.subi %select_n3A_75, %sub3A_83 : vector<16xi32>
      %max3A = arith.constant 0 : i32
      %max3A_85 = vector.broadcast %max3A : i32 to vector<16xi32>
      %max3A_86 = arith.maxsi %sub3A_84, %max3A_85 : vector<16xi32>
      %min3A = arith.constant 49919 : i32
      %min3A_87 = vector.broadcast %min3A : i32 to vector<16xi32>
      %min3A_88 = arith.minsi %max3A_86, %min3A_87 : vector<16xi32>
      %jit3A_89 = arith.constant 65536 : i32
      %jit3A_90 = arith.constant 0 : i32
      %broadcast_in_dim3A = vector.broadcast %jit3A_89 : i32 to vector<16xi32>
      %broadcast_in_dim3A_91 = vector.broadcast %jit3A_90 : i32 to vector<16xi32>
      %select_n3A_92 = arith.select %and3A, %broadcast_in_dim3A, %broadcast_in_dim3A_91 : vector<16xi1>, vector<16xi32>
      %add3A_93 = arith.addi %min3A_88, %select_n3A_92 : vector<16xi32>
      %and3A_94 = arith.andi %and3A, %ge3A_71 : vector<16xi1>
      %jit3A_95 = arith.constant 131072 : i32
      %jit3A_96 = arith.constant 0 : i32
      %broadcast_in_dim3A_97 = vector.broadcast %jit3A_95 : i32 to vector<16xi32>
      %broadcast_in_dim3A_98 = vector.broadcast %jit3A_96 : i32 to vector<16xi32>
      %select_n3A_99 = arith.select %and3A_94, %broadcast_in_dim3A_97, %broadcast_in_dim3A_98 : vector<16xi1>, vector<16xi32>
      %add3A_100 = arith.addi %add3A_93, %select_n3A_99 : vector<16xi32>
      %swap3A = arith.index_cast %mul3A_68 : i32 to index
      %swap3A_101 = tpu.vector_load %arg12[%swap3A] {strides = array<i32>} : memref<4096xi32, #tpu.memory_space<vmem>>, vector<16xi32>,
      tpu.vector_store %arg12[%swap3A], %add3A_100 {strides = array<i32>} : memref<4096xi32, #tpu.memory_space<vmem>>, vector<16xi32>,
      %scan3A_102 = arith.constant 0 : i32
      scf.yield %scan3A_102 : i32
    }
    %scan3A_25 = arith.constant 256 : i32
    %scan3A_26 = arith.constant 0 : i32
    %scan3A_27 = arith.constant 0 : i32
    %scan3A_28 = arith.constant 256 : i32
    %scan3A_29 = arith.addi %scan3A_27, %scan3A_28 : i32
    %scan3A_30 = arith.constant 1 : i32
    %scan3A_31 = scf.for %scan3A_65 = %scan3A_27 to %scan3A_29 step %scan3A_30 iter_args(%scan3A_66 = %scan3A_26) -> (i32)  : i32 {
      %mul3A_67 = arith.constant 16 : i32
      %mul3A_68 = arith.muli %scan3A_65, %mul3A_67 : i32
      %get3A = arith.index_cast %mul3A_68 : i32 to index
      %get3A_69 = tpu.vector_load %arg11[%get3A] {strides = array<i32>} : memref<4096xi32, #tpu.memory_space<vmem>>, vector<16xi32>,
      %ge3A = arith.constant 0 : i32
      %ge3A_70 = vector.broadcast %ge3A : i32 to vector<16xi32>
      %ge3A_71 = arith.cmpi sge, %get3A_69, %ge3A_70 : vector<16xi32>
      %sub3A_72 = arith.constant -1 : i32
      %sub3A_73 = vector.broadcast %sub3A_72 : i32 to vector<16xi32>
      %sub3A_74 = arith.subi %sub3A_73, %get3A_69 : vector<16xi32>
      %select_n3A_75 = arith.select %ge3A_71, %get3A_69, %sub3A_74 : vector<16xi1>, vector<16xi32>
      %ge3A_76 = arith.constant 49920 : i32
      %ge3A_77 = vector.broadcast %ge3A_76 : i32 to vector<16xi32>
      %ge3A_78 = arith.cmpi sge, %select_n3A_75, %ge3A_77 : vector<16xi32>
      %lt3A_79 = arith.constant 100000 : i32
      %lt3A_80 = vector.broadcast %lt3A_79 : i32 to vector<16xi32>
      %lt3A_81 = arith.cmpi slt, %select_n3A_75, %lt3A_80 : vector<16xi32>
      %and3A = arith.andi %ge3A_78, %lt3A_81 : vector<16xi1>
      %sub3A_82 = arith.constant 49920 : i32
      %sub3A_83 = vector.broadcast %sub3A_82 : i32 to vector<16xi32>
      %sub3A_84 = arith.subi %select_n3A_75, %sub3A_83 : vector<16xi32>
      %max3A = arith.constant 0 : i32
      %max3A_85 = vector.broadcast %max3A : i32 to vector<16xi32>
      %max3A_86 = arith.maxsi %sub3A_84, %max3A_85 : vector<16xi32>
      %min3A = arith.constant 50079 : i32
      %min3A_87 = vector.broadcast %min3A : i32 to vector<16xi32>
      %min3A_88 = arith.minsi %max3A_86, %min3A_87 : vector<16xi32>
      %jit3A_89 = arith.constant 65536 : i32
      %jit3A_90 = arith.constant 0 : i32
      %broadcast_in_dim3A = vector.broadcast %jit3A_89 : i32 to vector<16xi32>
      %broadcast_in_dim3A_91 = vector.broadcast %jit3A_90 : i32 to vector<16xi32>
      %select_n3A_92 = arith.select %and3A, %broadcast_in_dim3A, %broadcast_in_dim3A_91 : vector<16xi1>, vector<16xi32>
      %add3A_93 = arith.addi %min3A_88, %select_n3A_92 : vector<16xi32>
      %and3A_94 = arith.andi %and3A, %ge3A_71 : vector<16xi1>
      %jit3A_95 = arith.constant 131072 : i32
      %jit3A_96 = arith.constant 0 : i32
      %broadcast_in_dim3A_97 = vector.broadcast %jit3A_95 : i32 to vector<16xi32>
      %broadcast_in_dim3A_98 = vector.broadcast %jit3A_96 : i32 to vector<16xi32>
      %select_n3A_99 = arith.select %and3A_94, %broadcast_in_dim3A_97, %broadcast_in_dim3A_98 : vector<16xi1>, vector<16xi32>
      %add3A_100 = arith.addi %add3A_93, %select_n3A_99 : vector<16xi32>
      %swap3A = arith.index_cast %mul3A_68 : i32 to index
      %swap3A_101 = tpu.vector_load %arg13[%swap3A] {strides = array<i32>} : memref<4096xi32, #tpu.memory_space<vmem>>, vector<16xi32>,
      tpu.vector_store %arg13[%swap3A], %add3A_100 {strides = array<i32>} : memref<4096xi32, #tpu.memory_space<vmem>>, vector<16xi32>,
      %scan3A_102 = arith.constant 0 : i32
      scf.yield %scan3A_102 : i32
    }
    %scan3A_32 = arith.constant 256 : i32
    %while3A = arith.constant 0 : i32
    %while3A_33 = arith.constant 0 : i32
    %while3A_34 = arith.subi %select_n3A, %while3A : i32
    %while3A_35 = arith.addi %while3A, %while3A_34 : i32
    %while3A_36 = arith.constant 1 : i32
    %while3A_37 = arith.divsi %while3A_34, %while3A_36 : i32
    %while3A_38 = arith.muli %while3A_37, %while3A_36 : i32
    %while3A_39 = arith.addi %while3A, %while3A_38 : i32
    %while3A_40 = arith.constant 1 : i32
    %while3A_41 = scf.for %while3A_65 = %while3A to %while3A_39 step %while3A_40 iter_args(%while3A_66 = %while3A_33) -> (i32)  : i32 {
      %mul3A_67 = arith.constant 32 : i32
      %mul3A_68 = arith.muli %mul3A_67, %while3A_65 : i32
      %add3A_69 = arith.addi %add3A, %mul3A_68 : i32
      %dma_wait3A_70 = arith.constant 0 : i32
      %dma_wait3A_71 = tpu.memref_slice %arg3[%add3A_69, %dma_wait3A_70] : memref<1000x4096xf32, #tpu.memory_space<hbm>> -> memref<1x4096xf32, #tpu.memory_space<hbm>>
      %dma_wait3A_72 = tpu.memref_squeeze %dma_wait3A_71 : memref<1x4096xf32, #tpu.memory_space<hbm>> -> memref<4096xf32, #tpu.memory_space<hbm>>
      %dma_wait3A_73 = arith.constant 0 : i32
      %dma_wait3A_74 = tpu.memref_slice %arg3[%add3A_69, %dma_wait3A_73] : memref<1000x4096xf32, #tpu.memory_space<hbm>> -> memref<1x4096xf32, #tpu.memory_space<hbm>>
      %dma_wait3A_75 = tpu.memref_squeeze %dma_wait3A_74 : memref<1x4096xf32, #tpu.memory_space<hbm>> -> memref<4096xf32, #tpu.memory_space<hbm>>
      tpu.wait_dma2 semaphore(%arg18 : memref<!tpu.dma_semaphore, #tpu.memory_space<semaphore_mem>>) src(%dma_wait3A_75 : memref<4096xf32, #tpu.memory_space<hbm>>) dst(%arg10 : memref<4096xf32, #tpu.memory_space<vmem>>)
      %gt3A = arith.constant 0 : i32
      %gt3A_76 = arith.cmpi sgt, %while3A_65, %gt3A : i32
      %convert_element_type3A = arith.extui %gt3A_76 : i1 to i32
      %cond3A = arith.constant 0 : i32
      %cond3A_77 = arith.cmpi ne, %convert_element_type3A, %cond3A : i32
      scf.if %cond3A_77 {
        %dma_wait3A_126 = arith.constant 0 : i32
        %dma_wait3A_127 = tpu.memref_slice %arg6[%add3A_69, %dma_wait3A_126] : memref<1000x4096xf32, #tpu.memory_space<hbm>> -> memref<1x4096xf32, #tpu.memory_space<hbm>>
        %dma_wait3A_128 = tpu.memref_squeeze %dma_wait3A_127 : memref<1x4096xf32, #tpu.memory_space<hbm>> -> memref<4096xf32, #tpu.memory_space<hbm>>
        %dma_wait3A_129 = arith.constant 0 : i32
        %dma_wait3A_130 = tpu.memref_slice %arg6[%add3A_69, %dma_wait3A_129] : memref<1000x4096xf32, #tpu.memory_space<hbm>> -> memref<1x4096xf32, #tpu.memory_space<hbm>>
        %dma_wait3A_131 = tpu.memref_squeeze %dma_wait3A_130 : memref<1x4096xf32, #tpu.memory_space<hbm>> -> memref<4096xf32, #tpu.memory_space<hbm>>
        tpu.wait_dma2 semaphore(%arg19 : memref<!tpu.dma_semaphore, #tpu.memory_space<semaphore_mem>>) src(%arg9 : memref<4096xf32, #tpu.memory_space<vmem>>) dst(%dma_wait3A_131 : memref<4096xf32, #tpu.memory_space<hbm>>)
      } else {
      }
      %dma_wait3A_78 = arith.constant 0 : i32
      %dma_wait3A_79 = tpu.memref_slice %arg2[%add3A_69, %dma_wait3A_78] : memref<1000x100000xf32, #tpu.memory_space<hbm>> -> memref<1x49920xf32, #tpu.memory_space<hbm>>
      %dma_wait3A_80 = tpu.memref_squeeze %dma_wait3A_79 : memref<1x49920xf32, #tpu.memory_space<hbm>> -> memref<49920xf32, #tpu.memory_space<hbm>>
      %dma_wait3A_81 = arith.constant 0 : i32
      %dma_wait3A_82 = tpu.memref_slice %arg2[%add3A_69, %dma_wait3A_81] : memref<1000x100000xf32, #tpu.memory_space<hbm>> -> memref<1x49920xf32, #tpu.memory_space<hbm>>
      %dma_wait3A_83 = tpu.memref_squeeze %dma_wait3A_82 : memref<1x49920xf32, #tpu.memory_space<hbm>> -> memref<49920xf32, #tpu.memory_space<hbm>>
      tpu.wait_dma2 semaphore(%arg14 : memref<!tpu.dma_semaphore, #tpu.memory_space<semaphore_mem>>) src(%dma_wait3A_83 : memref<49920xf32, #tpu.memory_space<hbm>>) dst(%arg7 : memref<49920xf32, #tpu.memory_space<vmem>>)
      %parallel_loop3A = arith.constant 0 : i32
      %parallel_loop3A_84 = arith.constant 256 : i32
      %parallel_loop3A_85 = arith.constant 1 : i32
      scf.for %parallel_loop3A_126 = %parallel_loop3A to %parallel_loop3A_84 step %parallel_loop3A_85  : i32 {
        %parallel_loop3A_127 = arith.constant 16 : i32
        %parallel_loop3A_128 = arith.muli %parallel_loop3A_126, %parallel_loop3A_127 : i32
        %parallel_loop3A_129 = arith.index_cast %parallel_loop3A_128 : i32 to index
        %parallel_loop3A_130 = tpu.vector_load %arg12[%parallel_loop3A_129] {strides = array<i32>} : memref<4096xi32, #tpu.memory_space<vmem>>, vector<16xi32>,
        %parallel_loop3A_131 = arith.constant 65535 : i32
        %parallel_loop3A_132 = vector.broadcast %parallel_loop3A_131 : i32 to vector<16xi32>
        %parallel_loop3A_133 = arith.andi %parallel_loop3A_130, %parallel_loop3A_132 : vector<16xi32>
        %parallel_loop3A_134 = arith.constant 65536 : i32
        %parallel_loop3A_135 = vector.broadcast %parallel_loop3A_134 : i32 to vector<16xi32>
        %parallel_loop3A_136 = arith.andi %parallel_loop3A_130, %parallel_loop3A_135 : vector<16xi32>
        %parallel_loop3A_137 = arith.constant 0 : i32
        %parallel_loop3A_138 = vector.broadcast %parallel_loop3A_137 : i32 to vector<16xi32>
        %parallel_loop3A_139 = arith.cmpi ne, %parallel_loop3A_136, %parallel_loop3A_138 : vector<16xi32>
        %parallel_loop3A_140 = tpu.vector_load_idx %arg7[%parallel_loop3A_133] masked %parallel_loop3A_139 : memref<49920xf32, #tpu.memory_space<vmem>>[vector<16xi32>], vector<16xf32>, vector<16xi1>
        %parallel_loop3A_141 = arith.index_cast %parallel_loop3A_128 : i32 to index
        %parallel_loop3A_142 = tpu.vector_load %arg9[%parallel_loop3A_141] {strides = array<i32>} : memref<4096xf32, #tpu.memory_space<vmem>>, vector<16xf32>,
        tpu.vector_store %arg9[%parallel_loop3A_141], %parallel_loop3A_140 {strides = array<i32>} : memref<4096xf32, #tpu.memory_space<vmem>>, vector<16xf32>,
      } {sc.loop_unroll_factor = 1 : i64, sc.parallel_access}
      %parallel_loop3A_86 = arith.constant 0 : i32
      %parallel_loop3A_87 = arith.constant 256 : i32
      %parallel_loop3A_88 = arith.constant 1 : i32
      scf.for %parallel_loop3A_126 = %parallel_loop3A_86 to %parallel_loop3A_87 step %parallel_loop3A_88  : i32 {
        %parallel_loop3A_127 = arith.constant 16 : i32
        %parallel_loop3A_128 = arith.muli %parallel_loop3A_126, %parallel_loop3A_127 : i32
        %parallel_loop3A_129 = arith.index_cast %parallel_loop3A_128 : i32 to index
        %parallel_loop3A_130 = tpu.vector_load %arg12[%parallel_loop3A_129] {strides = array<i32>} : memref<4096xi32, #tpu.memory_space<vmem>>, vector<16xi32>,
        %parallel_loop3A_131 = arith.constant 65535 : i32
        %parallel_loop3A_132 = vector.broadcast %parallel_loop3A_131 : i32 to vector<16xi32>
        %parallel_loop3A_133 = arith.andi %parallel_loop3A_130, %parallel_loop3A_132 : vector<16xi32>
        %parallel_loop3A_134 = arith.constant 131072 : i32
        %parallel_loop3A_135 = vector.broadcast %parallel_loop3A_134 : i32 to vector<16xi32>
        %parallel_loop3A_136 = arith.andi %parallel_loop3A_130, %parallel_loop3A_135 : vector<16xi32>
        %parallel_loop3A_137 = arith.constant 0 : i32
        %parallel_loop3A_138 = vector.broadcast %parallel_loop3A_137 : i32 to vector<16xi32>
        %parallel_loop3A_139 = arith.cmpi ne, %parallel_loop3A_136, %parallel_loop3A_138 : vector<16xi32>
        %parallel_loop3A_140 = arith.index_cast %parallel_loop3A_128 : i32 to index
        %parallel_loop3A_141 = tpu.vector_load %arg10[%parallel_loop3A_140] {strides = array<i32>} : memref<4096xf32, #tpu.memory_space<vmem>>, vector<16xf32>,
        tpu.vector_store_idx %arg7[%parallel_loop3A_133], %parallel_loop3A_141 masked %parallel_loop3A_139 : memref<49920xf32, #tpu.memory_space<vmem>>[vector<16xi32>], vector<16xf32>, vector<16xi1>
      } {sc.loop_unroll_factor = 1 : i64, sc.parallel_access}
      %dma_start3A_89 = arith.constant 0 : i32
      %dma_start3A_90 = tpu.memref_slice %arg5[%add3A_69, %dma_start3A_89] : memref<1000x100000xf32, #tpu.memory_space<hbm>> -> memref<1x49920xf32, #tpu.memory_space<hbm>>
      %dma_start3A_91 = tpu.memref_squeeze %dma_start3A_90 : memref<1x49920xf32, #tpu.memory_space<hbm>> -> memref<49920xf32, #tpu.memory_space<hbm>>
      %dma_start3A_92 = arith.constant 0 : i32
      %dma_start3A_93 = tpu.memref_slice %arg5[%add3A_69, %dma_start3A_92] : memref<1000x100000xf32, #tpu.memory_space<hbm>> -> memref<1x49920xf32, #tpu.memory_space<hbm>>
      %dma_start3A_94 = tpu.memref_squeeze %dma_start3A_93 : memref<1x49920xf32, #tpu.memory_space<hbm>> -> memref<49920xf32, #tpu.memory_space<hbm>>
      tpu.enqueue_dma source(%arg7 : memref<49920xf32, #tpu.memory_space<vmem>>) target(%dma_start3A_94 : memref<49920xf32, #tpu.memory_space<hbm>>) target_semaphore(%arg16 : memref<!tpu.dma_semaphore, #tpu.memory_space<semaphore_mem>>)
      %dma_wait3A_95 = arith.constant 49920 : i32
      %dma_wait3A_96 = tpu.memref_slice %arg2[%add3A_69, %dma_wait3A_95] : memref<1000x100000xf32, #tpu.memory_space<hbm>> -> memref<1x50080xf32, #tpu.memory_space<hbm>>
      %dma_wait3A_97 = tpu.memref_squeeze %dma_wait3A_96 : memref<1x50080xf32, #tpu.memory_space<hbm>> -> memref<50080xf32, #tpu.memory_space<hbm>>
      %dma_wait3A_98 = arith.constant 49920 : i32
      %dma_wait3A_99 = tpu.memref_slice %arg2[%add3A_69, %dma_wait3A_98] : memref<1000x100000xf32, #tpu.memory_space<hbm>> -> memref<1x50080xf32, #tpu.memory_space<hbm>>
      %dma_wait3A_100 = tpu.memref_squeeze %dma_wait3A_99 : memref<1x50080xf32, #tpu.memory_space<hbm>> -> memref<50080xf32, #tpu.memory_space<hbm>>
      tpu.wait_dma2 semaphore(%arg15 : memref<!tpu.dma_semaphore, #tpu.memory_space<semaphore_mem>>) src(%dma_wait3A_100 : memref<50080xf32, #tpu.memory_space<hbm>>) dst(%arg8 : memref<50080xf32, #tpu.memory_space<vmem>>)
      %parallel_loop3A_101 = arith.constant 0 : i32
      %parallel_loop3A_102 = arith.constant 256 : i32
      %parallel_loop3A_103 = arith.constant 1 : i32
      scf.for %parallel_loop3A_126 = %parallel_loop3A_101 to %parallel_loop3A_102 step %parallel_loop3A_103  : i32 {
        %parallel_loop3A_127 = arith.constant 16 : i32
        %parallel_loop3A_128 = arith.muli %parallel_loop3A_126, %parallel_loop3A_127 : i32
        %parallel_loop3A_129 = arith.index_cast %parallel_loop3A_128 : i32 to index
        %parallel_loop3A_130 = tpu.vector_load %arg13[%parallel_loop3A_129] {strides = array<i32>} : memref<4096xi32, #tpu.memory_space<vmem>>, vector<16xi32>,
        %parallel_loop3A_131 = arith.constant 65535 : i32
        %parallel_loop3A_132 = vector.broadcast %parallel_loop3A_131 : i32 to vector<16xi32>
        %parallel_loop3A_133 = arith.andi %parallel_loop3A_130, %parallel_loop3A_132 : vector<16xi32>
        %parallel_loop3A_134 = arith.constant 65536 : i32
        %parallel_loop3A_135 = vector.broadcast %parallel_loop3A_134 : i32 to vector<16xi32>
        %parallel_loop3A_136 = arith.andi %parallel_loop3A_130, %parallel_loop3A_135 : vector<16xi32>
        %parallel_loop3A_137 = arith.constant 0 : i32
        %parallel_loop3A_138 = vector.broadcast %parallel_loop3A_137 : i32 to vector<16xi32>
        %parallel_loop3A_139 = arith.cmpi ne, %parallel_loop3A_136, %parallel_loop3A_138 : vector<16xi32>
        %parallel_loop3A_140 = tpu.vector_load_idx %arg8[%parallel_loop3A_133] masked %parallel_loop3A_139 : memref<50080xf32, #tpu.memory_space<vmem>>[vector<16xi32>], vector<16xf32>, vector<16xi1>
        %parallel_loop3A_141 = arith.index_cast %parallel_loop3A_128 : i32 to index
        %parallel_loop3A_142 = tpu.vector_load %arg9[%parallel_loop3A_141] {strides = array<i32>} : memref<4096xf32, #tpu.memory_space<vmem>>, vector<16xf32>,
        %parallel_loop3A_143 = arith.select %parallel_loop3A_139, %parallel_loop3A_140, %parallel_loop3A_142 : vector<16xi1>, vector<16xf32>
        %parallel_loop3A_144 = arith.index_cast %parallel_loop3A_128 : i32 to index
        %parallel_loop3A_145 = tpu.vector_load %arg9[%parallel_loop3A_144] {strides = array<i32>} : memref<4096xf32, #tpu.memory_space<vmem>>, vector<16xf32>,
        tpu.vector_store %arg9[%parallel_loop3A_144], %parallel_loop3A_143 {strides = array<i32>} : memref<4096xf32, #tpu.memory_space<vmem>>, vector<16xf32>,
      } {sc.loop_unroll_factor = 1 : i64, sc.parallel_access}
      %parallel_loop3A_104 = arith.constant 0 : i32
      %parallel_loop3A_105 = arith.constant 256 : i32
      %parallel_loop3A_106 = arith.constant 1 : i32
      scf.for %parallel_loop3A_126 = %parallel_loop3A_104 to %parallel_loop3A_105 step %parallel_loop3A_106  : i32 {
        %parallel_loop3A_127 = arith.constant 16 : i32
        %parallel_loop3A_128 = arith.muli %parallel_loop3A_126, %parallel_loop3A_127 : i32
        %parallel_loop3A_129 = arith.index_cast %parallel_loop3A_128 : i32 to index
        %parallel_loop3A_130 = tpu.vector_load %arg13[%parallel_loop3A_129] {strides = array<i32>} : memref<4096xi32, #tpu.memory_space<vmem>>, vector<16xi32>,
        %parallel_loop3A_131 = arith.constant 65535 : i32
        %parallel_loop3A_132 = vector.broadcast %parallel_loop3A_131 : i32 to vector<16xi32>
        %parallel_loop3A_133 = arith.andi %parallel_loop3A_130, %parallel_loop3A_132 : vector<16xi32>
        %parallel_loop3A_134 = arith.constant 131072 : i32
        %parallel_loop3A_135 = vector.broadcast %parallel_loop3A_134 : i32 to vector<16xi32>
        %parallel_loop3A_136 = arith.andi %parallel_loop3A_130, %parallel_loop3A_135 : vector<16xi32>
        %parallel_loop3A_137 = arith.constant 0 : i32
        %parallel_loop3A_138 = vector.broadcast %parallel_loop3A_137 : i32 to vector<16xi32>
        %parallel_loop3A_139 = arith.cmpi ne, %parallel_loop3A_136, %parallel_loop3A_138 : vector<16xi32>
        %parallel_loop3A_140 = arith.index_cast %parallel_loop3A_128 : i32 to index
        %parallel_loop3A_141 = tpu.vector_load %arg10[%parallel_loop3A_140] {strides = array<i32>} : memref<4096xf32, #tpu.memory_space<vmem>>, vector<16xf32>,
        tpu.vector_store_idx %arg8[%parallel_loop3A_133], %parallel_loop3A_141 masked %parallel_loop3A_139 : memref<50080xf32, #tpu.memory_space<vmem>>[vector<16xi32>], vector<16xf32>, vector<16xi1>
      } {sc.loop_unroll_factor = 1 : i64, sc.parallel_access}
      %dma_start3A_107 = arith.constant 49920 : i32
      %dma_start3A_108 = tpu.memref_slice %arg5[%add3A_69, %dma_start3A_107] : memref<1000x100000xf32, #tpu.memory_space<hbm>> -> memref<1x50080xf32, #tpu.memory_space<hbm>>
      %dma_start3A_109 = tpu.memref_squeeze %dma_start3A_108 : memref<1x50080xf32, #tpu.memory_space<hbm>> -> memref<50080xf32, #tpu.memory_space<hbm>>
      %dma_start3A_110 = arith.constant 49920 : i32
      %dma_start3A_111 = tpu.memref_slice %arg5[%add3A_69, %dma_start3A_110] : memref<1000x100000xf32, #tpu.memory_space<hbm>> -> memref<1x50080xf32, #tpu.memory_space<hbm>>
      %dma_start3A_112 = tpu.memref_squeeze %dma_start3A_111 : memref<1x50080xf32, #tpu.memory_space<hbm>> -> memref<50080xf32, #tpu.memory_space<hbm>>
      tpu.enqueue_dma source(%arg8 : memref<50080xf32, #tpu.memory_space<vmem>>) target(%dma_start3A_112 : memref<50080xf32, #tpu.memory_space<hbm>>) target_semaphore(%arg17 : memref<!tpu.dma_semaphore, #tpu.memory_space<semaphore_mem>>)
      %dma_start3A_113 = arith.constant 0 : i32
      %dma_start3A_114 = tpu.memref_slice %arg6[%add3A_69, %dma_start3A_113] : memref<1000x4096xf32, #tpu.memory_space<hbm>> -> memref<1x4096xf32, #tpu.memory_space<hbm>>
      %dma_start3A_115 = tpu.memref_squeeze %dma_start3A_114 : memref<1x4096xf32, #tpu.memory_space<hbm>> -> memref<4096xf32, #tpu.memory_space<hbm>>
      %dma_start3A_116 = arith.constant 0 : i32
      %dma_start3A_117 = tpu.memref_slice %arg6[%add3A_69, %dma_start3A_116] : memref<1000x4096xf32, #tpu.memory_space<hbm>> -> memref<1x4096xf32, #tpu.memory_space<hbm>>
      %dma_start3A_118 = tpu.memref_squeeze %dma_start3A_117 : memref<1x4096xf32, #tpu.memory_space<hbm>> -> memref<4096xf32, #tpu.memory_space<hbm>>
      tpu.enqueue_dma source(%arg9 : memref<4096xf32, #tpu.memory_space<vmem>>) target(%dma_start3A_118 : memref<4096xf32, #tpu.memory_space<hbm>>) target_semaphore(%arg19 : memref<!tpu.dma_semaphore, #tpu.memory_space<semaphore_mem>>)
      %add3A_119 = arith.constant 1 : i32
      %add3A_120 = arith.addi %while3A_65, %add3A_119 : i32
      %lt3A_121 = arith.cmpi slt, %add3A_120, %select_n3A : i32
      %convert_element_type3A_122 = arith.extui %lt3A_121 : i1 to i32
      %cond3A_123 = arith.constant 0 : i32
      %cond3A_124 = arith.cmpi ne, %convert_element_type3A_122, %cond3A_123 : i32
      scf.if %cond3A_124 {
        %add3A_126 = arith.constant 32 : i32
        %add3A_127 = arith.addi %add3A_69, %add3A_126 : i32
        %dma_start3A_128 = arith.constant 0 : i32
        %dma_start3A_129 = tpu.memref_slice %arg3[%add3A_127, %dma_start3A_128] : memref<1000x4096xf32, #tpu.memory_space<hbm>> -> memref<1x4096xf32, #tpu.memory_space<hbm>>
        %dma_start3A_130 = tpu.memref_squeeze %dma_start3A_129 : memref<1x4096xf32, #tpu.memory_space<hbm>> -> memref<4096xf32, #tpu.memory_space<hbm>>
        %dma_start3A_131 = arith.constant 0 : i32
        %dma_start3A_132 = tpu.memref_slice %arg3[%add3A_127, %dma_start3A_131] : memref<1000x4096xf32, #tpu.memory_space<hbm>> -> memref<1x4096xf32, #tpu.memory_space<hbm>>
        %dma_start3A_133 = tpu.memref_squeeze %dma_start3A_132 : memref<1x4096xf32, #tpu.memory_space<hbm>> -> memref<4096xf32, #tpu.memory_space<hbm>>
        tpu.enqueue_dma source(%dma_start3A_133 : memref<4096xf32, #tpu.memory_space<hbm>>) target(%arg10 : memref<4096xf32, #tpu.memory_space<vmem>>) target_semaphore(%arg18 : memref<!tpu.dma_semaphore, #tpu.memory_space<semaphore_mem>>)
        %dma_wait3A_134 = arith.constant 0 : i32
        %dma_wait3A_135 = tpu.memref_slice %arg5[%add3A_69, %dma_wait3A_134] : memref<1000x100000xf32, #tpu.memory_space<hbm>> -> memref<1x49920xf32, #tpu.memory_space<hbm>>
        %dma_wait3A_136 = tpu.memref_squeeze %dma_wait3A_135 : memref<1x49920xf32, #tpu.memory_space<hbm>> -> memref<49920xf32, #tpu.memory_space<hbm>>
        %dma_wait3A_137 = arith.constant 0 : i32
        %dma_wait3A_138 = tpu.memref_slice %arg5[%add3A_69, %dma_wait3A_137] : memref<1000x100000xf32, #tpu.memory_space<hbm>> -> memref<1x49920xf32, #tpu.memory_space<hbm>>
        %dma_wait3A_139 = tpu.memref_squeeze %dma_wait3A_138 : memref<1x49920xf32, #tpu.memory_space<hbm>> -> memref<49920xf32, #tpu.memory_space<hbm>>
        tpu.wait_dma2 semaphore(%arg16 : memref<!tpu.dma_semaphore, #tpu.memory_space<semaphore_mem>>) src(%arg7 : memref<49920xf32, #tpu.memory_space<vmem>>) dst(%dma_wait3A_139 : memref<49920xf32, #tpu.memory_space<hbm>>)
        %dma_start3A_140 = arith.constant 0 : i32
        %dma_start3A_141 = tpu.memref_slice %arg2[%add3A_127, %dma_start3A_140] : memref<1000x100000xf32, #tpu.memory_space<hbm>> -> memref<1x49920xf32, #tpu.memory_space<hbm>>
        %dma_start3A_142 = tpu.memref_squeeze %dma_start3A_141 : memref<1x49920xf32, #tpu.memory_space<hbm>> -> memref<49920xf32, #tpu.memory_space<hbm>>
        %dma_start3A_143 = arith.constant 0 : i32
        %dma_start3A_144 = tpu.memref_slice %arg2[%add3A_127, %dma_start3A_143] : memref<1000x100000xf32, #tpu.memory_space<hbm>> -> memref<1x49920xf32, #tpu.memory_space<hbm>>
        %dma_start3A_145 = tpu.memref_squeeze %dma_start3A_144 : memref<1x49920xf32, #tpu.memory_space<hbm>> -> memref<49920xf32, #tpu.memory_space<hbm>>
        tpu.enqueue_dma source(%dma_start3A_145 : memref<49920xf32, #tpu.memory_space<hbm>>) target(%arg7 : memref<49920xf32, #tpu.memory_space<vmem>>) target_semaphore(%arg14 : memref<!tpu.dma_semaphore, #tpu.memory_space<semaphore_mem>>)
        %dma_wait3A_146 = arith.constant 49920 : i32
        %dma_wait3A_147 = tpu.memref_slice %arg5[%add3A_69, %dma_wait3A_146] : memref<1000x100000xf32, #tpu.memory_space<hbm>> -> memref<1x50080xf32, #tpu.memory_space<hbm>>
        %dma_wait3A_148 = tpu.memref_squeeze %dma_wait3A_147 : memref<1x50080xf32, #tpu.memory_space<hbm>> -> memref<50080xf32, #tpu.memory_space<hbm>>
        %dma_wait3A_149 = arith.constant 49920 : i32
        %dma_wait3A_150 = tpu.memref_slice %arg5[%add3A_69, %dma_wait3A_149] : memref<1000x100000xf32, #tpu.memory_space<hbm>> -> memref<1x50080xf32, #tpu.memory_space<hbm>>
        %dma_wait3A_151 = tpu.memref_squeeze %dma_wait3A_150 : memref<1x50080xf32, #tpu.memory_space<hbm>> -> memref<50080xf32, #tpu.memory_space<hbm>>
        tpu.wait_dma2 semaphore(%arg17 : memref<!tpu.dma_semaphore, #tpu.memory_space<semaphore_mem>>) src(%arg8 : memref<50080xf32, #tpu.memory_space<vmem>>) dst(%dma_wait3A_151 : memref<50080xf32, #tpu.memory_space<hbm>>)
        %dma_start3A_152 = arith.constant 49920 : i32
        %dma_start3A_153 = tpu.memref_slice %arg2[%add3A_127, %dma_start3A_152] : memref<1000x100000xf32, #tpu.memory_space<hbm>> -> memref<1x50080xf32, #tpu.memory_space<hbm>>
        %dma_start3A_154 = tpu.memref_squeeze %dma_start3A_153 : memref<1x50080xf32, #tpu.memory_space<hbm>> -> memref<50080xf32, #tpu.memory_space<hbm>>
        %dma_start3A_155 = arith.constant 49920 : i32
        %dma_start3A_156 = tpu.memref_slice %arg2[%add3A_127, %dma_start3A_155] : memref<1000x100000xf32, #tpu.memory_space<hbm>> -> memref<1x50080xf32, #tpu.memory_space<hbm>>
        %dma_start3A_157 = tpu.memref_squeeze %dma_start3A_156 : memref<1x50080xf32, #tpu.memory_space<hbm>> -> memref<50080xf32, #tpu.memory_space<hbm>>
        tpu.enqueue_dma source(%dma_start3A_157 : memref<50080xf32, #tpu.memory_space<hbm>>) target(%arg8 : memref<50080xf32, #tpu.memory_space<vmem>>) target_semaphore(%arg15 : memref<!tpu.dma_semaphore, #tpu.memory_space<semaphore_mem>>)
      } else {
      }
      %while3A_125 = arith.constant 0 : i32
      scf.yield %while3A_125 : i32
    }
    %while3A_42 = arith.constant 1 : i32
    %while3A_43 = scf.for %while3A_65 = %while3A_39 to %while3A_35 step %while3A_42 iter_args(%while3A_66 = %while3A_41) -> (i32)  : i32 {
      %mul3A_67 = arith.constant 32 : i32
      %mul3A_68 = arith.muli %mul3A_67, %while3A_65 : i32
      %add3A_69 = arith.addi %add3A, %mul3A_68 : i32
      %dma_wait3A_70 = arith.constant 0 : i32
      %dma_wait3A_71 = tpu.memref_slice %arg3[%add3A_69, %dma_wait3A_70] : memref<1000x4096xf32, #tpu.memory_space<hbm>> -> memref<1x4096xf32, #tpu.memory_space<hbm>>
      %dma_wait3A_72 = tpu.memref_squeeze %dma_wait3A_71 : memref<1x4096xf32, #tpu.memory_space<hbm>> -> memref<4096xf32, #tpu.memory_space<hbm>>
      %dma_wait3A_73 = arith.constant 0 : i32
      %dma_wait3A_74 = tpu.memref_slice %arg3[%add3A_69, %dma_wait3A_73] : memref<1000x4096xf32, #tpu.memory_space<hbm>> -> memref<1x4096xf32, #tpu.memory_space<hbm>>
      %dma_wait3A_75 = tpu.memref_squeeze %dma_wait3A_74 : memref<1x4096xf32, #tpu.memory_space<hbm>> -> memref<4096xf32, #tpu.memory_space<hbm>>
      tpu.wait_dma2 semaphore(%arg18 : memref<!tpu.dma_semaphore, #tpu.memory_space<semaphore_mem>>) src(%dma_wait3A_75 : memref<4096xf32, #tpu.memory_space<hbm>>) dst(%arg10 : memref<4096xf32, #tpu.memory_space<vmem>>)
      %gt3A = arith.constant 0 : i32
      %gt3A_76 = arith.cmpi sgt, %while3A_65, %gt3A : i32
      %convert_element_type3A = arith.extui %gt3A_76 : i1 to i32
      %cond3A = arith.constant 0 : i32
      %cond3A_77 = arith.cmpi ne, %convert_element_type3A, %cond3A : i32
      scf.if %cond3A_77 {
        %dma_wait3A_126 = arith.constant 0 : i32
        %dma_wait3A_127 = tpu.memref_slice %arg6[%add3A_69, %dma_wait3A_126] : memref<1000x4096xf32, #tpu.memory_space<hbm>> -> memref<1x4096xf32, #tpu.memory_space<hbm>>
        %dma_wait3A_128 = tpu.memref_squeeze %dma_wait3A_127 : memref<1x4096xf32, #tpu.memory_space<hbm>> -> memref<4096xf32, #tpu.memory_space<hbm>>
        %dma_wait3A_129 = arith.constant 0 : i32
        %dma_wait3A_130 = tpu.memref_slice %arg6[%add3A_69, %dma_wait3A_129] : memref<1000x4096xf32, #tpu.memory_space<hbm>> -> memref<1x4096xf32, #tpu.memory_space<hbm>>
        %dma_wait3A_131 = tpu.memref_squeeze %dma_wait3A_130 : memref<1x4096xf32, #tpu.memory_space<hbm>> -> memref<4096xf32, #tpu.memory_space<hbm>>
        tpu.wait_dma2 semaphore(%arg19 : memref<!tpu.dma_semaphore, #tpu.memory_space<semaphore_mem>>) src(%arg9 : memref<4096xf32, #tpu.memory_space<vmem>>) dst(%dma_wait3A_131 : memref<4096xf32, #tpu.memory_space<hbm>>)
      } else {
      }
      %dma_wait3A_78 = arith.constant 0 : i32
      %dma_wait3A_79 = tpu.memref_slice %arg2[%add3A_69, %dma_wait3A_78] : memref<1000x100000xf32, #tpu.memory_space<hbm>> -> memref<1x49920xf32, #tpu.memory_space<hbm>>
      %dma_wait3A_80 = tpu.memref_squeeze %dma_wait3A_79 : memref<1x49920xf32, #tpu.memory_space<hbm>> -> memref<49920xf32, #tpu.memory_space<hbm>>
      %dma_wait3A_81 = arith.constant 0 : i32
      %dma_wait3A_82 = tpu.memref_slice %arg2[%add3A_69, %dma_wait3A_81] : memref<1000x100000xf32, #tpu.memory_space<hbm>> -> memref<1x49920xf32, #tpu.memory_space<hbm>>
      %dma_wait3A_83 = tpu.memref_squeeze %dma_wait3A_82 : memref<1x49920xf32, #tpu.memory_space<hbm>> -> memref<49920xf32, #tpu.memory_space<hbm>>
      tpu.wait_dma2 semaphore(%arg14 : memref<!tpu.dma_semaphore, #tpu.memory_space<semaphore_mem>>) src(%dma_wait3A_83 : memref<49920xf32, #tpu.memory_space<hbm>>) dst(%arg7 : memref<49920xf32, #tpu.memory_space<vmem>>)
      %parallel_loop3A = arith.constant 0 : i32
      %parallel_loop3A_84 = arith.constant 256 : i32
      %parallel_loop3A_85 = arith.constant 1 : i32
      scf.for %parallel_loop3A_126 = %parallel_loop3A to %parallel_loop3A_84 step %parallel_loop3A_85  : i32 {
        %parallel_loop3A_127 = arith.constant 16 : i32
        %parallel_loop3A_128 = arith.muli %parallel_loop3A_126, %parallel_loop3A_127 : i32
        %parallel_loop3A_129 = arith.index_cast %parallel_loop3A_128 : i32 to index
        %parallel_loop3A_130 = tpu.vector_load %arg12[%parallel_loop3A_129] {strides = array<i32>} : memref<4096xi32, #tpu.memory_space<vmem>>, vector<16xi32>,
        %parallel_loop3A_131 = arith.constant 65535 : i32
        %parallel_loop3A_132 = vector.broadcast %parallel_loop3A_131 : i32 to vector<16xi32>
        %parallel_loop3A_133 = arith.andi %parallel_loop3A_130, %parallel_loop3A_132 : vector<16xi32>
        %parallel_loop3A_134 = arith.constant 65536 : i32
        %parallel_loop3A_135 = vector.broadcast %parallel_loop3A_134 : i32 to vector<16xi32>
        %parallel_loop3A_136 = arith.andi %parallel_loop3A_130, %parallel_loop3A_135 : vector<16xi32>
        %parallel_loop3A_137 = arith.constant 0 : i32
        %parallel_loop3A_138 = vector.broadcast %parallel_loop3A_137 : i32 to vector<16xi32>
        %parallel_loop3A_139 = arith.cmpi ne, %parallel_loop3A_136, %parallel_loop3A_138 : vector<16xi32>
        %parallel_loop3A_140 = tpu.vector_load_idx %arg7[%parallel_loop3A_133] masked %parallel_loop3A_139 : memref<49920xf32, #tpu.memory_space<vmem>>[vector<16xi32>], vector<16xf32>, vector<16xi1>
        %parallel_loop3A_141 = arith.index_cast %parallel_loop3A_128 : i32 to index
        %parallel_loop3A_142 = tpu.vector_load %arg9[%parallel_loop3A_141] {strides = array<i32>} : memref<4096xf32, #tpu.memory_space<vmem>>, vector<16xf32>,
        tpu.vector_store %arg9[%parallel_loop3A_141], %parallel_loop3A_140 {strides = array<i32>} : memref<4096xf32, #tpu.memory_space<vmem>>, vector<16xf32>,
      } {sc.loop_unroll_factor = 1 : i64, sc.parallel_access}
      %parallel_loop3A_86 = arith.constant 0 : i32
      %parallel_loop3A_87 = arith.constant 256 : i32
      %parallel_loop3A_88 = arith.constant 1 : i32
      scf.for %parallel_loop3A_126 = %parallel_loop3A_86 to %parallel_loop3A_87 step %parallel_loop3A_88  : i32 {
        %parallel_loop3A_127 = arith.constant 16 : i32
        %parallel_loop3A_128 = arith.muli %parallel_loop3A_126, %parallel_loop3A_127 : i32
        %parallel_loop3A_129 = arith.index_cast %parallel_loop3A_128 : i32 to index
        %parallel_loop3A_130 = tpu.vector_load %arg12[%parallel_loop3A_129] {strides = array<i32>} : memref<4096xi32, #tpu.memory_space<vmem>>, vector<16xi32>,
        %parallel_loop3A_131 = arith.constant 65535 : i32
        %parallel_loop3A_132 = vector.broadcast %parallel_loop3A_131 : i32 to vector<16xi32>
        %parallel_loop3A_133 = arith.andi %parallel_loop3A_130, %parallel_loop3A_132 : vector<16xi32>
        %parallel_loop3A_134 = arith.constant 131072 : i32
        %parallel_loop3A_135 = vector.broadcast %parallel_loop3A_134 : i32 to vector<16xi32>
        %parallel_loop3A_136 = arith.andi %parallel_loop3A_130, %parallel_loop3A_135 : vector<16xi32>
        %parallel_loop3A_137 = arith.constant 0 : i32
        %parallel_loop3A_138 = vector.broadcast %parallel_loop3A_137 : i32 to vector<16xi32>
        %parallel_loop3A_139 = arith.cmpi ne, %parallel_loop3A_136, %parallel_loop3A_138 : vector<16xi32>
        %parallel_loop3A_140 = arith.index_cast %parallel_loop3A_128 : i32 to index
        %parallel_loop3A_141 = tpu.vector_load %arg10[%parallel_loop3A_140] {strides = array<i32>} : memref<4096xf32, #tpu.memory_space<vmem>>, vector<16xf32>,
        tpu.vector_store_idx %arg7[%parallel_loop3A_133], %parallel_loop3A_141 masked %parallel_loop3A_139 : memref<49920xf32, #tpu.memory_space<vmem>>[vector<16xi32>], vector<16xf32>, vector<16xi1>
      } {sc.loop_unroll_factor = 1 : i64, sc.parallel_access}
      %dma_start3A_89 = arith.constant 0 : i32
      %dma_start3A_90 = tpu.memref_slice %arg5[%add3A_69, %dma_start3A_89] : memref<1000x100000xf32, #tpu.memory_space<hbm>> -> memref<1x49920xf32, #tpu.memory_space<hbm>>
      %dma_start3A_91 = tpu.memref_squeeze %dma_start3A_90 : memref<1x49920xf32, #tpu.memory_space<hbm>> -> memref<49920xf32, #tpu.memory_space<hbm>>
      %dma_start3A_92 = arith.constant 0 : i32
      %dma_start3A_93 = tpu.memref_slice %arg5[%add3A_69, %dma_start3A_92] : memref<1000x100000xf32, #tpu.memory_space<hbm>> -> memref<1x49920xf32, #tpu.memory_space<hbm>>
      %dma_start3A_94 = tpu.memref_squeeze %dma_start3A_93 : memref<1x49920xf32, #tpu.memory_space<hbm>> -> memref<49920xf32, #tpu.memory_space<hbm>>
      tpu.enqueue_dma source(%arg7 : memref<49920xf32, #tpu.memory_space<vmem>>) target(%dma_start3A_94 : memref<49920xf32, #tpu.memory_space<hbm>>) target_semaphore(%arg16 : memref<!tpu.dma_semaphore, #tpu.memory_space<semaphore_mem>>)
      %dma_wait3A_95 = arith.constant 49920 : i32
      %dma_wait3A_96 = tpu.memref_slice %arg2[%add3A_69, %dma_wait3A_95] : memref<1000x100000xf32, #tpu.memory_space<hbm>> -> memref<1x50080xf32, #tpu.memory_space<hbm>>
      %dma_wait3A_97 = tpu.memref_squeeze %dma_wait3A_96 : memref<1x50080xf32, #tpu.memory_space<hbm>> -> memref<50080xf32, #tpu.memory_space<hbm>>
      %dma_wait3A_98 = arith.constant 49920 : i32
      %dma_wait3A_99 = tpu.memref_slice %arg2[%add3A_69, %dma_wait3A_98] : memref<1000x100000xf32, #tpu.memory_space<hbm>> -> memref<1x50080xf32, #tpu.memory_space<hbm>>
      %dma_wait3A_100 = tpu.memref_squeeze %dma_wait3A_99 : memref<1x50080xf32, #tpu.memory_space<hbm>> -> memref<50080xf32, #tpu.memory_space<hbm>>
      tpu.wait_dma2 semaphore(%arg15 : memref<!tpu.dma_semaphore, #tpu.memory_space<semaphore_mem>>) src(%dma_wait3A_100 : memref<50080xf32, #tpu.memory_space<hbm>>) dst(%arg8 : memref<50080xf32, #tpu.memory_space<vmem>>)
      %parallel_loop3A_101 = arith.constant 0 : i32
      %parallel_loop3A_102 = arith.constant 256 : i32
      %parallel_loop3A_103 = arith.constant 1 : i32
      scf.for %parallel_loop3A_126 = %parallel_loop3A_101 to %parallel_loop3A_102 step %parallel_loop3A_103  : i32 {
        %parallel_loop3A_127 = arith.constant 16 : i32
        %parallel_loop3A_128 = arith.muli %parallel_loop3A_126, %parallel_loop3A_127 : i32
        %parallel_loop3A_129 = arith.index_cast %parallel_loop3A_128 : i32 to index
        %parallel_loop3A_130 = tpu.vector_load %arg13[%parallel_loop3A_129] {strides = array<i32>} : memref<4096xi32, #tpu.memory_space<vmem>>, vector<16xi32>,
        %parallel_loop3A_131 = arith.constant 65535 : i32
        %parallel_loop3A_132 = vector.broadcast %parallel_loop3A_131 : i32 to vector<16xi32>
        %parallel_loop3A_133 = arith.andi %parallel_loop3A_130, %parallel_loop3A_132 : vector<16xi32>
        %parallel_loop3A_134 = arith.constant 65536 : i32
        %parallel_loop3A_135 = vector.broadcast %parallel_loop3A_134 : i32 to vector<16xi32>
        %parallel_loop3A_136 = arith.andi %parallel_loop3A_130, %parallel_loop3A_135 : vector<16xi32>
        %parallel_loop3A_137 = arith.constant 0 : i32
        %parallel_loop3A_138 = vector.broadcast %parallel_loop3A_137 : i32 to vector<16xi32>
        %parallel_loop3A_139 = arith.cmpi ne, %parallel_loop3A_136, %parallel_loop3A_138 : vector<16xi32>
        %parallel_loop3A_140 = tpu.vector_load_idx %arg8[%parallel_loop3A_133] masked %parallel_loop3A_139 : memref<50080xf32, #tpu.memory_space<vmem>>[vector<16xi32>], vector<16xf32>, vector<16xi1>
        %parallel_loop3A_141 = arith.index_cast %parallel_loop3A_128 : i32 to index
        %parallel_loop3A_142 = tpu.vector_load %arg9[%parallel_loop3A_141] {strides = array<i32>} : memref<4096xf32, #tpu.memory_space<vmem>>, vector<16xf32>,
        %parallel_loop3A_143 = arith.select %parallel_loop3A_139, %parallel_loop3A_140, %parallel_loop3A_142 : vector<16xi1>, vector<16xf32>
        %parallel_loop3A_144 = arith.index_cast %parallel_loop3A_128 : i32 to index
        %parallel_loop3A_145 = tpu.vector_load %arg9[%parallel_loop3A_144] {strides = array<i32>} : memref<4096xf32, #tpu.memory_space<vmem>>, vector<16xf32>,
        tpu.vector_store %arg9[%parallel_loop3A_144], %parallel_loop3A_143 {strides = array<i32>} : memref<4096xf32, #tpu.memory_space<vmem>>, vector<16xf32>,
      } {sc.loop_unroll_factor = 1 : i64, sc.parallel_access}
      %parallel_loop3A_104 = arith.constant 0 : i32
      %parallel_loop3A_105 = arith.constant 256 : i32
      %parallel_loop3A_106 = arith.constant 1 : i32
      scf.for %parallel_loop3A_126 = %parallel_loop3A_104 to %parallel_loop3A_105 step %parallel_loop3A_106  : i32 {
        %parallel_loop3A_127 = arith.constant 16 : i32
        %parallel_loop3A_128 = arith.muli %parallel_loop3A_126, %parallel_loop3A_127 : i32
        %parallel_loop3A_129 = arith.index_cast %parallel_loop3A_128 : i32 to index
        %parallel_loop3A_130 = tpu.vector_load %arg13[%parallel_loop3A_129] {strides = array<i32>} : memref<4096xi32, #tpu.memory_space<vmem>>, vector<16xi32>,
        %parallel_loop3A_131 = arith.constant 65535 : i32
        %parallel_loop3A_132 = vector.broadcast %parallel_loop3A_131 : i32 to vector<16xi32>
        %parallel_loop3A_133 = arith.andi %parallel_loop3A_130, %parallel_loop3A_132 : vector<16xi32>
        %parallel_loop3A_134 = arith.constant 131072 : i32
        %parallel_loop3A_135 = vector.broadcast %parallel_loop3A_134 : i32 to vector<16xi32>
        %parallel_loop3A_136 = arith.andi %parallel_loop3A_130, %parallel_loop3A_135 : vector<16xi32>
        %parallel_loop3A_137 = arith.constant 0 : i32
        %parallel_loop3A_138 = vector.broadcast %parallel_loop3A_137 : i32 to vector<16xi32>
        %parallel_loop3A_139 = arith.cmpi ne, %parallel_loop3A_136, %parallel_loop3A_138 : vector<16xi32>
        %parallel_loop3A_140 = arith.index_cast %parallel_loop3A_128 : i32 to index
        %parallel_loop3A_141 = tpu.vector_load %arg10[%parallel_loop3A_140] {strides = array<i32>} : memref<4096xf32, #tpu.memory_space<vmem>>, vector<16xf32>,
        tpu.vector_store_idx %arg8[%parallel_loop3A_133], %parallel_loop3A_141 masked %parallel_loop3A_139 : memref<50080xf32, #tpu.memory_space<vmem>>[vector<16xi32>], vector<16xf32>, vector<16xi1>
      } {sc.loop_unroll_factor = 1 : i64, sc.parallel_access}
      %dma_start3A_107 = arith.constant 49920 : i32
      %dma_start3A_108 = tpu.memref_slice %arg5[%add3A_69, %dma_start3A_107] : memref<1000x100000xf32, #tpu.memory_space<hbm>> -> memref<1x50080xf32, #tpu.memory_space<hbm>>
      %dma_start3A_109 = tpu.memref_squeeze %dma_start3A_108 : memref<1x50080xf32, #tpu.memory_space<hbm>> -> memref<50080xf32, #tpu.memory_space<hbm>>
      %dma_start3A_110 = arith.constant 49920 : i32
      %dma_start3A_111 = tpu.memref_slice %arg5[%add3A_69, %dma_start3A_110] : memref<1000x100000xf32, #tpu.memory_space<hbm>> -> memref<1x50080xf32, #tpu.memory_space<hbm>>
      %dma_start3A_112 = tpu.memref_squeeze %dma_start3A_111 : memref<1x50080xf32, #tpu.memory_space<hbm>> -> memref<50080xf32, #tpu.memory_space<hbm>>
      tpu.enqueue_dma source(%arg8 : memref<50080xf32, #tpu.memory_space<vmem>>) target(%dma_start3A_112 : memref<50080xf32, #tpu.memory_space<hbm>>) target_semaphore(%arg17 : memref<!tpu.dma_semaphore, #tpu.memory_space<semaphore_mem>>)
      %dma_start3A_113 = arith.constant 0 : i32
      %dma_start3A_114 = tpu.memref_slice %arg6[%add3A_69, %dma_start3A_113] : memref<1000x4096xf32, #tpu.memory_space<hbm>> -> memref<1x4096xf32, #tpu.memory_space<hbm>>
      %dma_start3A_115 = tpu.memref_squeeze %dma_start3A_114 : memref<1x4096xf32, #tpu.memory_space<hbm>> -> memref<4096xf32, #tpu.memory_space<hbm>>
      %dma_start3A_116 = arith.constant 0 : i32
      %dma_start3A_117 = tpu.memref_slice %arg6[%add3A_69, %dma_start3A_116] : memref<1000x4096xf32, #tpu.memory_space<hbm>> -> memref<1x4096xf32, #tpu.memory_space<hbm>>
      %dma_start3A_118 = tpu.memref_squeeze %dma_start3A_117 : memref<1x4096xf32, #tpu.memory_space<hbm>> -> memref<4096xf32, #tpu.memory_space<hbm>>
      tpu.enqueue_dma source(%arg9 : memref<4096xf32, #tpu.memory_space<vmem>>) target(%dma_start3A_118 : memref<4096xf32, #tpu.memory_space<hbm>>) target_semaphore(%arg19 : memref<!tpu.dma_semaphore, #tpu.memory_space<semaphore_mem>>)
      %add3A_119 = arith.constant 1 : i32
      %add3A_120 = arith.addi %while3A_65, %add3A_119 : i32
      %lt3A_121 = arith.cmpi slt, %add3A_120, %select_n3A : i32
      %convert_element_type3A_122 = arith.extui %lt3A_121 : i1 to i32
      %cond3A_123 = arith.constant 0 : i32
      %cond3A_124 = arith.cmpi ne, %convert_element_type3A_122, %cond3A_123 : i32
      scf.if %cond3A_124 {
        %add3A_126 = arith.constant 32 : i32
        %add3A_127 = arith.addi %add3A_69, %add3A_126 : i32
        %dma_start3A_128 = arith.constant 0 : i32
        %dma_start3A_129 = tpu.memref_slice %arg3[%add3A_127, %dma_start3A_128] : memref<1000x4096xf32, #tpu.memory_space<hbm>> -> memref<1x4096xf32, #tpu.memory_space<hbm>>
        %dma_start3A_130 = tpu.memref_squeeze %dma_start3A_129 : memref<1x4096xf32, #tpu.memory_space<hbm>> -> memref<4096xf32, #tpu.memory_space<hbm>>
        %dma_start3A_131 = arith.constant 0 : i32
        %dma_start3A_132 = tpu.memref_slice %arg3[%add3A_127, %dma_start3A_131] : memref<1000x4096xf32, #tpu.memory_space<hbm>> -> memref<1x4096xf32, #tpu.memory_space<hbm>>
        %dma_start3A_133 = tpu.memref_squeeze %dma_start3A_132 : memref<1x4096xf32, #tpu.memory_space<hbm>> -> memref<4096xf32, #tpu.memory_space<hbm>>
        tpu.enqueue_dma source(%dma_start3A_133 : memref<4096xf32, #tpu.memory_space<hbm>>) target(%arg10 : memref<4096xf32, #tpu.memory_space<vmem>>) target_semaphore(%arg18 : memref<!tpu.dma_semaphore, #tpu.memory_space<semaphore_mem>>)
        %dma_wait3A_134 = arith.constant 0 : i32
        %dma_wait3A_135 = tpu.memref_slice %arg5[%add3A_69, %dma_wait3A_134] : memref<1000x100000xf32, #tpu.memory_space<hbm>> -> memref<1x49920xf32, #tpu.memory_space<hbm>>
        %dma_wait3A_136 = tpu.memref_squeeze %dma_wait3A_135 : memref<1x49920xf32, #tpu.memory_space<hbm>> -> memref<49920xf32, #tpu.memory_space<hbm>>
        %dma_wait3A_137 = arith.constant 0 : i32
        %dma_wait3A_138 = tpu.memref_slice %arg5[%add3A_69, %dma_wait3A_137] : memref<1000x100000xf32, #tpu.memory_space<hbm>> -> memref<1x49920xf32, #tpu.memory_space<hbm>>
        %dma_wait3A_139 = tpu.memref_squeeze %dma_wait3A_138 : memref<1x49920xf32, #tpu.memory_space<hbm>> -> memref<49920xf32, #tpu.memory_space<hbm>>
        tpu.wait_dma2 semaphore(%arg16 : memref<!tpu.dma_semaphore, #tpu.memory_space<semaphore_mem>>) src(%arg7 : memref<49920xf32, #tpu.memory_space<vmem>>) dst(%dma_wait3A_139 : memref<49920xf32, #tpu.memory_space<hbm>>)
        %dma_start3A_140 = arith.constant 0 : i32
        %dma_start3A_141 = tpu.memref_slice %arg2[%add3A_127, %dma_start3A_140] : memref<1000x100000xf32, #tpu.memory_space<hbm>> -> memref<1x49920xf32, #tpu.memory_space<hbm>>
        %dma_start3A_142 = tpu.memref_squeeze %dma_start3A_141 : memref<1x49920xf32, #tpu.memory_space<hbm>> -> memref<49920xf32, #tpu.memory_space<hbm>>
        %dma_start3A_143 = arith.constant 0 : i32
        %dma_start3A_144 = tpu.memref_slice %arg2[%add3A_127, %dma_start3A_143] : memref<1000x100000xf32, #tpu.memory_space<hbm>> -> memref<1x49920xf32, #tpu.memory_space<hbm>>
        %dma_start3A_145 = tpu.memref_squeeze %dma_start3A_144 : memref<1x49920xf32, #tpu.memory_space<hbm>> -> memref<49920xf32, #tpu.memory_space<hbm>>
        tpu.enqueue_dma source(%dma_start3A_145 : memref<49920xf32, #tpu.memory_space<hbm>>) target(%arg7 : memref<49920xf32, #tpu.memory_space<vmem>>) target_semaphore(%arg14 : memref<!tpu.dma_semaphore, #tpu.memory_space<semaphore_mem>>)
        %dma_wait3A_146 = arith.constant 49920 : i32
        %dma_wait3A_147 = tpu.memref_slice %arg5[%add3A_69, %dma_wait3A_146] : memref<1000x100000xf32, #tpu.memory_space<hbm>> -> memref<1x50080xf32, #tpu.memory_space<hbm>>
        %dma_wait3A_148 = tpu.memref_squeeze %dma_wait3A_147 : memref<1x50080xf32, #tpu.memory_space<hbm>> -> memref<50080xf32, #tpu.memory_space<hbm>>
        %dma_wait3A_149 = arith.constant 49920 : i32
        %dma_wait3A_150 = tpu.memref_slice %arg5[%add3A_69, %dma_wait3A_149] : memref<1000x100000xf32, #tpu.memory_space<hbm>> -> memref<1x50080xf32, #tpu.memory_space<hbm>>
        %dma_wait3A_151 = tpu.memref_squeeze %dma_wait3A_150 : memref<1x50080xf32, #tpu.memory_space<hbm>> -> memref<50080xf32, #tpu.memory_space<hbm>>
        tpu.wait_dma2 semaphore(%arg17 : memref<!tpu.dma_semaphore, #tpu.memory_space<semaphore_mem>>) src(%arg8 : memref<50080xf32, #tpu.memory_space<vmem>>) dst(%dma_wait3A_151 : memref<50080xf32, #tpu.memory_space<hbm>>)
        %dma_start3A_152 = arith.constant 49920 : i32
        %dma_start3A_153 = tpu.memref_slice %arg2[%add3A_127, %dma_start3A_152] : memref<1000x100000xf32, #tpu.memory_space<hbm>> -> memref<1x50080xf32, #tpu.memory_space<hbm>>
        %dma_start3A_154 = tpu.memref_squeeze %dma_start3A_153 : memref<1x50080xf32, #tpu.memory_space<hbm>> -> memref<50080xf32, #tpu.memory_space<hbm>>
        %dma_start3A_155 = arith.constant 49920 : i32
        %dma_start3A_156 = tpu.memref_slice %arg2[%add3A_127, %dma_start3A_155] : memref<1000x100000xf32, #tpu.memory_space<hbm>> -> memref<1x50080xf32, #tpu.memory_space<hbm>>
        %dma_start3A_157 = tpu.memref_squeeze %dma_start3A_156 : memref<1x50080xf32, #tpu.memory_space<hbm>> -> memref<50080xf32, #tpu.memory_space<hbm>>
        tpu.enqueue_dma source(%dma_start3A_157 : memref<50080xf32, #tpu.memory_space<hbm>>) target(%arg8 : memref<50080xf32, #tpu.memory_space<vmem>>) target_semaphore(%arg15 : memref<!tpu.dma_semaphore, #tpu.memory_space<semaphore_mem>>)
      } else {
      }
      %while3A_125 = arith.constant 0 : i32
      scf.yield %while3A_125 : i32
    }
    %sub3A = arith.constant 1 : i32
    %sub3A_44 = arith.subi %select_n3A, %sub3A : i32
    %mul3A_45 = arith.constant 32 : i32
    %mul3A_46 = arith.muli %mul3A_45, %sub3A_44 : i32
    %add3A_47 = arith.addi %add3A, %mul3A_46 : i32
    %dma_wait3A = arith.constant 0 : i32
    %dma_wait3A_48 = tpu.memref_slice %arg6[%add3A_47, %dma_wait3A] : memref<1000x4096xf32, #tpu.memory_space<hbm>> -> memref<1x4096xf32, #tpu.memory_space<hbm>>
    %dma_wait3A_49 = tpu.memref_squeeze %dma_wait3A_48 : memref<1x4096xf32, #tpu.memory_space<hbm>> -> memref<4096xf32, #tpu.memory_space<hbm>>
    %dma_wait3A_50 = arith.constant 0 : i32
    %dma_wait3A_51 = tpu.memref_slice %arg6[%add3A_47, %dma_wait3A_50] : memref<1000x4096xf32, #tpu.memory_space<hbm>> -> memref<1x4096xf32, #tpu.memory_space<hbm>>
    %dma_wait3A_52 = tpu.memref_squeeze %dma_wait3A_51 : memref<1x4096xf32, #tpu.memory_space<hbm>> -> memref<4096xf32, #tpu.memory_space<hbm>>
    tpu.wait_dma2 semaphore(%arg19 : memref<!tpu.dma_semaphore, #tpu.memory_space<semaphore_mem>>) src(%arg9 : memref<4096xf32, #tpu.memory_space<vmem>>) dst(%dma_wait3A_52 : memref<4096xf32, #tpu.memory_space<hbm>>)
    %dma_wait3A_53 = arith.constant 0 : i32
    %dma_wait3A_54 = tpu.memref_slice %arg5[%add3A_47, %dma_wait3A_53] : memref<1000x100000xf32, #tpu.memory_space<hbm>> -> memref<1x49920xf32, #tpu.memory_space<hbm>>
    %dma_wait3A_55 = tpu.memref_squeeze %dma_wait3A_54 : memref<1x49920xf32, #tpu.memory_space<hbm>> -> memref<49920xf32, #tpu.memory_space<hbm>>
    %dma_wait3A_56 = arith.constant 0 : i32
    %dma_wait3A_57 = tpu.memref_slice %arg5[%add3A_47, %dma_wait3A_56] : memref<1000x100000xf32, #tpu.memory_space<hbm>> -> memref<1x49920xf32, #tpu.memory_space<hbm>>
    %dma_wait3A_58 = tpu.memref_squeeze %dma_wait3A_57 : memref<1x49920xf32, #tpu.memory_space<hbm>> -> memref<49920xf32, #tpu.memory_space<hbm>>
    tpu.wait_dma2 semaphore(%arg16 : memref<!tpu.dma_semaphore, #tpu.memory_space<semaphore_mem>>) src(%arg7 : memref<49920xf32, #tpu.memory_space<vmem>>) dst(%dma_wait3A_58 : memref<49920xf32, #tpu.memory_space<hbm>>)
    %dma_wait3A_59 = arith.constant 49920 : i32
    %dma_wait3A_60 = tpu.memref_slice %arg5[%add3A_47, %dma_wait3A_59] : memref<1000x100000xf32, #tpu.memory_space<hbm>> -> memref<1x50080xf32, #tpu.memory_space<hbm>>
    %dma_wait3A_61 = tpu.memref_squeeze %dma_wait3A_60 : memref<1x50080xf32, #tpu.memory_space<hbm>> -> memref<50080xf32, #tpu.memory_space<hbm>>
    %dma_wait3A_62 = arith.constant 49920 : i32
    %dma_wait3A_63 = tpu.memref_slice %arg5[%add3A_47, %dma_wait3A_62] : memref<1000x100000xf32, #tpu.memory_space<hbm>> -> memref<1x50080xf32, #tpu.memory_space<hbm>>
    %dma_wait3A_64 = tpu.memref_squeeze %dma_wait3A_63 : memref<1x50080xf32, #tpu.memory_space<hbm>> -> memref<50080xf32, #tpu.memory_space<hbm>>
    tpu.wait_dma2 semaphore(%arg17 : memref<!tpu.dma_semaphore, #tpu.memory_space<semaphore_mem>>) src(%arg8 : memref<50080xf32, #tpu.memory_space<vmem>>) dst(%dma_wait3A_64 : memref<50080xf32, #tpu.memory_space<hbm>>)
    return
  }
}

module attributes {stable_mosaic.version = 14 : i64} {
  func.func @_loss_body(%arg0: i32, %arg1: memref<1x1xf32, #tpu.memory_space<smem>>, %arg2: memref<1000x512xf32, #tpu.memory_space<vmem>>, %arg3: memref<1000x512xf32, #tpu.memory_space<vmem>>, %arg4: memref<1000x512xf32, #tpu.memory_space<vmem>>, %arg5: memref<1x1xf32, #tpu.memory_space<smem>>) attributes {dimension_semantics = [#tpu.dimension_semantics<arbitrary>], iteration_bounds = array<i64: 8>, scalar_prefetch = 0 : i64, scratch_operands = 0 : i64, tpu.core_type = #tpu.core_type<tc>, window_params = [{transform_indices = @transform_0, window_bounds = array<i64: 1, 1>}, {transform_indices = @transform_1, window_bounds = array<i64: 1000, 512>}, {transform_indices = @transform_2, window_bounds = array<i64: 1000, 512>}, {transform_indices = @transform_3, window_bounds = array<i64: 1000, 512>}, {transform_indices = @transform_4, window_bounds = array<i64: 1, 1>}]} {
    %get3A = arith.constant 0 : index
    %get3A_0 = arith.constant 0 : index
    %get3A_1 = memref.load %arg1[%get3A, %get3A_0] : memref<1x1xf32, #tpu.memory_space<smem>>
    %get3A_2 = arith.constant 0 : index
    %get3A_3 = arith.constant 0 : index
    %get3A_4 = vector.load %arg2[%get3A_2, %get3A_3] : memref<1000x512xf32, #tpu.memory_space<vmem>>, vector<1000x512xf32>
    %reduce_max3A = arith.constant dense<0xFF800000> : vector<512xf32>
    %reduce_max3A_5 = vector.multi_reduction <maximumf>, %get3A_4, %reduce_max3A [0] : vector<1000x512xf32> to vector<512xf32>
    %broadcast_in_dim3A = vector.shape_cast %reduce_max3A_5 : vector<512xf32> to vector<1x512xf32>
    %sub3A = vector.broadcast %broadcast_in_dim3A : vector<1x512xf32> to vector<1000x512xf32>
    %sub3A_6 = arith.subf %get3A_4, %sub3A : vector<1000x512xf32>
    %exp3A = math.exp %sub3A_6 : vector<1000x512xf32>
    %sub3A_7 = vector.broadcast %broadcast_in_dim3A : vector<1x512xf32> to vector<1000x512xf32>
    %sub3A_8 = arith.subf %get3A_4, %sub3A_7 : vector<1000x512xf32>
    %reduce_sum3A = arith.constant dense<0.000000e+00> : vector<512xf32>
    %reduce_sum3A_9 = vector.multi_reduction <add>, %exp3A, %reduce_sum3A [0] : vector<1000x512xf32> to vector<512xf32>
    %broadcast_in_dim3A_10 = vector.shape_cast %reduce_sum3A_9 : vector<512xf32> to vector<1x512xf32>
    %log3A = math.log %broadcast_in_dim3A_10 : vector<1x512xf32>
    %sub3A_11 = vector.broadcast %log3A : vector<1x512xf32> to vector<1000x512xf32>
    %sub3A_12 = arith.subf %sub3A_8, %sub3A_11 : vector<1000x512xf32>
    %sub3A_13 = arith.constant 1.000000e+00 : f32
    %sub3A_14 = arith.subf %sub3A_13, %get3A_1 : f32
    %get3A_15 = arith.constant 0 : index
    %get3A_16 = arith.constant 0 : index
    %get3A_17 = vector.load %arg3[%get3A_15, %get3A_16] : memref<1000x512xf32, #tpu.memory_space<vmem>>, vector<1000x512xf32>
    %mul3A = vector.broadcast %sub3A_14 : f32 to vector<1000x512xf32>
    %mul3A_18 = arith.mulf %mul3A, %get3A_17 : vector<1000x512xf32>
    %get3A_19 = arith.constant 0 : index
    %get3A_20 = arith.constant 0 : index
    %get3A_21 = vector.load %arg4[%get3A_19, %get3A_20] : memref<1000x512xf32, #tpu.memory_space<vmem>>, vector<1000x512xf32>
    %mul3A_22 = vector.broadcast %get3A_1 : f32 to vector<1000x512xf32>
    %mul3A_23 = arith.mulf %mul3A_22, %get3A_21 : vector<1000x512xf32>
    %add3A = arith.addf %mul3A_18, %mul3A_23 : vector<1000x512xf32>
    %mul3A_24 = arith.mulf %add3A, %sub3A_12 : vector<1000x512xf32>
    %reduce_sum3A_25 = vector.shape_cast %mul3A_24 : vector<1000x512xf32> to vector<1x1000x512xf32>
    %reduce_sum3A_26 = arith.constant dense<0.000000e+00> : vector<1xf32>
    %reduce_sum3A_27 = vector.multi_reduction <add>, %reduce_sum3A_25, %reduce_sum3A_26 [1, 2] : vector<1x1000x512xf32> to vector<1xf32>
    %reduce_sum3A_28 = vector.shape_cast %reduce_sum3A_27 : vector<1xf32> to vector<1x1x1xf32>
    %reduce_sum3A_29 = vector.extract %reduce_sum3A_28[0, 0, 0] : f32 from vector<1x1x1xf32>
    %neg3A = arith.constant 0.000000e+00 : f32
    %neg3A_30 = arith.subf %neg3A, %reduce_sum3A_29 : f32
    %mul3A_31 = arith.constant 2.44140625E-4 : f32
    %mul3A_32 = arith.mulf %neg3A_30, %mul3A_31 : f32
    %eq3A = arith.constant 0 : i32
    %eq3A_33 = arith.cmpi eq, %arg0, %eq3A : i32
    %convert_element_type3A = arith.extui %eq3A_33 : i1 to i32
    %cond3A = arith.constant 0 : i32
    %cond3A_34 = arith.cmpi ne, %convert_element_type3A, %cond3A : i32
    scf.if %cond3A_34 {
      %swap3A_41 = arith.constant 0.000000e+00 : f32
      %swap3A_42 = arith.constant 0 : index
      %swap3A_43 = arith.constant 0 : index
      %swap3A_44 = memref.load %arg5[%swap3A_42, %swap3A_43] : memref<1x1xf32, #tpu.memory_space<smem>>
      memref.store %swap3A_41, %arg5[%swap3A_42, %swap3A_43] : memref<1x1xf32, #tpu.memory_space<smem>>
    } else {
    }
    %get3A_35 = arith.constant 0 : index
    %get3A_36 = arith.constant 0 : index
    %get3A_37 = memref.load %arg5[%get3A_35, %get3A_36] : memref<1x1xf32, #tpu.memory_space<smem>>
    %add3A_38 = arith.addf %get3A_37, %mul3A_32 : f32
    %swap3A = arith.constant 0 : index
    %swap3A_39 = arith.constant 0 : index
    %swap3A_40 = memref.load %arg5[%swap3A, %swap3A_39] : memref<1x1xf32, #tpu.memory_space<smem>>
    memref.store %add3A_38, %arg5[%swap3A, %swap3A_39] : memref<1x1xf32, #tpu.memory_space<smem>>
    return
  }
  func.func @transform_0(%arg0: i32) -> (i32, i32) {
    %c0_i32 = arith.constant 0 : i32
    %c0_i32_0 = arith.constant 0 : i32
    %c0_i32_1 = arith.constant 0 : i32
    return %c0_i32, %c0_i32_0 : i32, i32
  }
  func.func @transform_1(%arg0: i32) -> (i32, i32) {
    %c0_i32 = arith.constant 0 : i32
    %c0_i32_0 = arith.constant 0 : i32
    return %c0_i32, %arg0 : i32, i32
  }
  func.func @transform_2(%arg0: i32) -> (i32, i32) {
    %c0_i32 = arith.constant 0 : i32
    %c0_i32_0 = arith.constant 0 : i32
    return %c0_i32, %arg0 : i32, i32
  }
  func.func @transform_3(%arg0: i32) -> (i32, i32) {
    %c0_i32 = arith.constant 0 : i32
    %c0_i32_0 = arith.constant 0 : i32
    return %c0_i32, %arg0 : i32, i32
  }
  func.func @transform_4(%arg0: i32) -> (i32, i32) {
    %c0_i32 = arith.constant 0 : i32
    %c0_i32_0 = arith.constant 0 : i32
    %c0_i32_1 = arith.constant 0 : i32
    return %c0_i32, %c0_i32_0 : i32, i32
  }
}

module attributes {stable_mosaic.version = 14 : i64} {
  func.func @_prep_body(%arg0: i32, %arg1: memref<512x1xi32, #tpu.memory_space<vmem>>, %arg2: memref<1x4096xi32, #tpu.memory_space<vmem>>, %arg3: memref<1000x512xf32, #tpu.memory_space<vmem>>, %arg4: memref<1000x512xf32, #tpu.memory_space<vmem>>, %arg5: memref<512x1xi32, #tpu.memory_space<vmem>>) attributes {dimension_semantics = [#tpu.dimension_semantics<arbitrary>], iteration_bounds = array<i64: 8>, scalar_prefetch = 0 : i64, scratch_operands = 0 : i64, tpu.core_type = #tpu.core_type<tc>, window_params = [{transform_indices = @transform_0, window_bounds = array<i64: 512, 1>}, {pipeline_mode = #tpu.pipeline_mode<synchronous>, transform_indices = @transform_1, window_bounds = array<i64: 1, 4096>}, {transform_indices = @transform_2, window_bounds = array<i64: 1000, 512>}, {transform_indices = @transform_3, window_bounds = array<i64: 1000, 512>}, {transform_indices = @transform_4, window_bounds = array<i64: 512, 1>}]} {
    %get3A = arith.constant 0 : index
    %get3A_0 = arith.constant 0 : index
    %get3A_1 = vector.load %arg3[%get3A, %get3A_0] : memref<1000x512xf32, #tpu.memory_space<vmem>>, vector<1000x512xf32>
    %reduce_max3A = arith.constant dense<0xFF800000> : vector<512xf32>
    %reduce_max3A_2 = vector.multi_reduction <maximumf>, %get3A_1, %reduce_max3A [0] : vector<1000x512xf32> to vector<512xf32>
    %broadcast_in_dim3A = vector.shape_cast %reduce_max3A_2 : vector<512xf32> to vector<1x512xf32>
    %sub3A = vector.broadcast %broadcast_in_dim3A : vector<1x512xf32> to vector<1000x512xf32>
    %sub3A_3 = arith.subf %get3A_1, %sub3A : vector<1000x512xf32>
    %exp3A = math.exp %sub3A_3 : vector<1000x512xf32>
    %reduce_sum3A = arith.constant dense<0.000000e+00> : vector<512xf32>
    %reduce_sum3A_4 = vector.multi_reduction <add>, %exp3A, %reduce_sum3A [0] : vector<1000x512xf32> to vector<512xf32>
    %broadcast_in_dim3A_5 = vector.shape_cast %reduce_sum3A_4 : vector<512xf32> to vector<1x512xf32>
    %div3A = vector.broadcast %broadcast_in_dim3A_5 : vector<1x512xf32> to vector<1000x512xf32>
    %div3A_6 = arith.divf %exp3A, %div3A : vector<1000x512xf32>
    %swap3A = arith.constant 0 : index
    %swap3A_7 = arith.constant 0 : index
    %swap3A_8 = vector.load %arg4[%swap3A, %swap3A_7] : memref<1000x512xf32, #tpu.memory_space<vmem>>, vector<1000x512xf32>
    tpu.vector_store %arg4[%swap3A, %swap3A_7], %div3A_6 {strides = array<i32>} : memref<1000x512xf32, #tpu.memory_space<vmem>>, vector<1000x512xf32>,
    %get3A_9 = arith.constant 0 : index
    %get3A_10 = arith.constant 0 : index
    %get3A_11 = vector.load %arg1[%get3A_9, %get3A_10] : memref<512x1xi32, #tpu.memory_space<vmem>>, vector<512x1xi32>
    %get3A_12 = arith.constant 0 : index
    %get3A_13 = arith.constant 0 : index
    %get3A_14 = vector.load %arg2[%get3A_12, %get3A_13] : memref<1x4096xi32, #tpu.memory_space<vmem>>, vector<1x4096xi32>
    %eq3A = vector.broadcast %get3A_11 : vector<512x1xi32> to vector<512x4096xi32>
    %eq3A_15 = vector.broadcast %get3A_14 : vector<1x4096xi32> to vector<512x4096xi32>
    %eq3A_16 = arith.cmpi eq, %eq3A, %eq3A_15 : vector<512x4096xi32>
    %iota3A = tpu.iota {dimensions = array<i32: 1>} : vector<512x4096xi32>
    %jit3A = arith.constant -1 : i32
    %broadcast_in_dim3A_17 = vector.broadcast %jit3A : i32 to vector<512x4096xi32>
    %select_n3A = arith.select %eq3A_16, %iota3A, %broadcast_in_dim3A_17 : vector<512x4096xi1>, vector<512x4096xi32>
    %reduce_max3A_18 = arith.constant dense<-2147483648> : vector<512xi32>
    %reduce_max3A_19 = vector.multi_reduction <maxsi>, %select_n3A, %reduce_max3A_18 [1] : vector<512x4096xi32> to vector<512xi32>
    %broadcast_in_dim3A_20 = vector.shape_cast %reduce_max3A_19 : vector<512xi32> to vector<512x1xi32>
    %iota3A_21 = tpu.iota {dimensions = array<i32: 0>} : vector<512x1xi32>
    %mul3A = arith.constant 512 : i32
    %mul3A_22 = arith.muli %arg0, %mul3A : i32
    %add3A = vector.broadcast %mul3A_22 : i32 to vector<512x1xi32>
    %add3A_23 = arith.addi %iota3A_21, %add3A : vector<512x1xi32>
    %eq3A_24 = arith.cmpi eq, %broadcast_in_dim3A_20, %add3A_23 : vector<512x1xi32>
    %sub3A_25 = arith.constant -1 : i32
    %sub3A_26 = vector.broadcast %sub3A_25 : i32 to vector<512x1xi32>
    %sub3A_27 = arith.subi %sub3A_26, %get3A_11 : vector<512x1xi32>
    %select_n3A_28 = arith.select %eq3A_24, %get3A_11, %sub3A_27 : vector<512x1xi1>, vector<512x1xi32>
    %swap3A_29 = arith.constant 0 : index
    %swap3A_30 = arith.constant 0 : index
    %swap3A_31 = vector.load %arg5[%swap3A_29, %swap3A_30] : memref<512x1xi32, #tpu.memory_space<vmem>>, vector<512x1xi32>
    tpu.vector_store %arg5[%swap3A_29, %swap3A_30], %select_n3A_28 {strides = array<i32>} : memref<512x1xi32, #tpu.memory_space<vmem>>, vector<512x1xi32>,
    return
  }
  func.func @transform_0(%arg0: i32) -> (i32, i32) {
    %c0_i32 = arith.constant 0 : i32
    %c0_i32_0 = arith.constant 0 : i32
    return %arg0, %c0_i32 : i32, i32
  }
  func.func @transform_1(%arg0: i32) -> (i32, i32) {
    %c0_i32 = arith.constant 0 : i32
    %c0_i32_0 = arith.constant 0 : i32
    %c0_i32_1 = arith.constant 0 : i32
    return %c0_i32, %c0_i32_0 : i32, i32
  }
  func.func @transform_2(%arg0: i32) -> (i32, i32) {
    %c0_i32 = arith.constant 0 : i32
    %c0_i32_0 = arith.constant 0 : i32
    return %c0_i32, %arg0 : i32, i32
  }
  func.func @transform_3(%arg0: i32) -> (i32, i32) {
    %c0_i32 = arith.constant 0 : i32
    %c0_i32_0 = arith.constant 0 : i32
    return %c0_i32, %arg0 : i32, i32
  }
  func.func @transform_4(%arg0: i32) -> (i32, i32) {
    %c0_i32 = arith.constant 0 : i32
    %c0_i32_0 = arith.constant 0 : i32
    return %arg0, %c0_i32 : i32, i32
  }
}

</mosaic_0001>

<sc_bundles>
// kernel: kernel.5.cloned.1.call-start
scs
__scs_entry_jumppad:
0x0: {  	(pc) =	sbr.rel $0x88, $3  }
0x1: {  	(tag) =	ssettag $0x0;
	lr =	simm.s32 $0x1  }
0x2: {  	[smem:$0x3F9C] =	sst lr;
	_ =	strace $0xD0000000  }
0x3: {  	_ = 	snop  }
0x4: {  	_ = 	snop  }
0x5: {  	_ = 	snop  }
0x6: {  	_ = 	snop  }
0x7: {  	_ = 	snop  }
__scs_overlays_trampoline_lowered:
0x8: {  	[smem:$0x3FAB] =	sst s0  }
0x9: {  	[smem:$0x3FAC] =	sst s1  }
0xa: {  	[smem:$0x3FAD] =	sst s2  }
0xb: {  	[smem:$0x3FAE] =	sst s3  }
0xc: {  	[smem:$0x3FAF] =	sst s4  }
0xd: {  	[smem:$0x3FB0] =	sst s5  }
0xe: {  	[smem:$0x3FB1] =	sst s6  }
0xf: {  	[smem:$0x3FB2] =	sst s7  }
0x10: {  	[smem:$0x3FB3] =	sst s8  }
0x11: {  	[smem:$0x3FB4] =	sst s9;
	s0 =	simm.s32 @!p0 $0x0  }
0x12: {  	s1 =	sld [smem:$0x3F9A];
	s0 =	simm.s32 @p0 $0x1  }
0x13: {  	[smem:$0x3FB5] =	sst s0;
	s0 =	simm.s32 @!p1 $0x0  }
0x14: {  	s2 =	sld [smem:$0x3F99];
	s0 =	simm.s32 @p1 $0x1  }
0x15: {  	[smem:$0x3FB6] =	sst s0;
	s0 =	simm.s32 @!p2 $0x0  }
0x16: {  	s3 =	sld [smem:$0x3FDB];
	s0 =	simm.s32 @p2 $0x1  }
0x17: {  	s4 =	simm.s32 $0x1BF5;
	[smem:$0x3FB8] =	sst s0  }
0x18: {  	s0 =	sld [smem:$0x3F9B];
	_ =	swait.ge [sflag:s4], $0x0  }
0x19: {  	s7 =	sld [smem:$0x3F9C]  }
0x1a: {  	s8 =	sadd.s32 $0xFFFFE003, lr  }
0x1b: {  	s9 =	sadd.s32 $0xFFFFFEF7, lr;
	s5 =	simm.s32 $0xFFFFFFFF;
	p2 =	slt.u32 s8, $0xFFFFF086  }
0x1c: {  	p1 =	slt.u32 s9, $0xF7A;
	s5 =	simm.s32 @!p2 $0x0  }
0x1d: {  	s5 =	simm.s32 @p1 $0x1;
	p0 =	seq.s32 s7, s2  }
0x1e: {  	s7 =	smul.u32 @!p0 $0xF7A, s2;
	p2 =	seq.s32 @!p0 s5, $0x0  }
0x1f: {  	s9 =	smul.u32 $0xF7A, s1;
	s8 =	simm.s32 @!p0 $0x1BF5;
	p2 =	por !p2, p0  }
0x20: {  	[sflag:s8] =	ssyncset.s32 @!p0 $0xFFFFF086;
	s6 =	sadd.s32 @!p0 s3, s7;
	s7 =	simm.s32 @!p0 $0x108  }
0x21: {  	s3 =	sadd.s32 s3, s9;
	s6 =	sadd.s32 @!p0 $0x88, s6;
	s7 =	simm.s32 @p2 $0x1082  }
0x22: {  	[simem:s7], [sflag:s8] =	dma.local @!p0 [hbm:s6], $0xF7A  }
0x23: {  	s9 =	sor.u32 $0xD0000000, s2;
	s6 =	simm.s32 $0x108;
	_ =	swait.ge @!p0 [sflag:s8], $0x0  }
0x24: {  	s3 =	sadd.s32 $0x88, s3;
	s6 =	simm.s32 @!p1 $0x1082;
	[sflag:s4] =	ssyncset.s32 $0xFFFFF086  }
0x25: {  	[simem:s6], [sflag:s4] =	dma.local [hbm:s3], $0xF7A  }
0x26: {  	[smem:$0x3F9C] =	sst s1;
	(tag) =	ssettag s2;
	_ =	strace s9  }
0x27: {  	s1 =	sld [smem:$0x3FAC]  }
0x28: {  	s2 =	sld [smem:$0x3FAD]  }
0x29: {  	s4 =	sld [smem:$0x3FAF]  }
0x2a: {  	p0 =	seq.s32 s5, $0x0;
	s5 =	sld [smem:$0x3FB0]  }
0x2b: {  	s6 =	sld [smem:$0x3FB1]  }
0x2c: {  	s7 =	sld [smem:$0x3FB2]  }
0x2d: {  	s3 =	simm.s32 $0x108;
	s8 =	sld [smem:$0x3FB3]  }
0x2e: {  	s3 =	simm.s32 @!p0 $0x1082;
	s9 =	sld [smem:$0x3FB4]  }
0x2f: {  	lr =	sadd.s32 s0, s3;
	s0 =	sld [smem:$0x3FAB]  }
0x30: {  	s3 =	sld [smem:$0x3FAE]  }
0x31: {  	[smem:$0x3FB7] =	sst s10  }
0x32: {  	s10 =	sld [smem:$0x3FB5];
	_ =	sdelay $0x3  }
0x33: {  	p0 =	seq.s32 s10, $0x1;
	s10 =	sld [smem:$0x3FB7];
	_ =	sdelay $0x3  }
0x34: {  	[smem:$0x3FB7] =	sst s10  }
0x35: {  	s10 =	sld [smem:$0x3FB6];
	_ =	sdelay $0x3  }
0x36: {  	p1 =	seq.s32 s10, $0x1;
	s10 =	sld [smem:$0x3FB7];
	_ =	sdelay $0x3  }
0x37: {  	[smem:$0x3FB7] =	sst s10  }
0x38: {  	s10 =	sld [smem:$0x3FB8]  }
0x39: {  	_ = 	snop;
	(pc) =	sbr.ind lr, $3  }
0x3a: {  	_ = 	snop  }
0x3b: {  	_ = 	snop  }
0x3c: {  	p2 =	seq.s32 s10, $0x1;
	s10 =	sld [smem:$0x3FB7]  }
0x3d: {  	_ =	shalt  }
0x3e: {  	_ =	shalt  }
0x3f: {  	_ =	shalt  }
0x40: {  	_ =	shalt  }
0x41: {  	_ =	shalt  }
0x42: {  	_ =	shalt  }
0x43: {  	_ =	shalt  }
0x44: {  	_ =	shalt  }
0x45: {  	_ =	shalt  }
0x46: {  	_ =	shalt  }
0x47: {  	_ =	shalt  }
0x48: {  	_ =	shalt  }
0x49: {  	_ =	shalt  }
0x4a: {  	_ =	shalt  }
0x4b: {  	_ =	shalt  }
0x4c: {  	_ =	shalt  }
0x4d: {  	_ =	shalt  }
0x4e: {  	_ =	shalt  }
0x4f: {  	_ =	shalt  }
0x50: {  	_ =	shalt  }
0x51: {  	_ =	shalt  }
0x52: {  	_ =	shalt  }
0x53: {  	_ =	shalt  }
0x54: {  	_ =	shalt  }
0x55: {  	_ =	shalt  }
0x56: {  	_ =	shalt  }
0x57: {  	_ =	shalt  }
0x58: {  	_ =	shalt  }
0x59: {  	_ =	shalt  }
0x5a: {  	_ =	shalt  }
0x5b: {  	_ =	shalt  }
0x5c: {  	_ =	shalt  }
0x5d: {  	_ =	shalt  }
0x5e: {  	_ =	shalt  }
0x5f: {  	_ =	shalt  }
0x60: {  	_ =	shalt  }
0x61: {  	_ =	shalt  }
0x62: {  	_ =	shalt  }
0x63: {  	_ =	shalt  }
0x64: {  	_ =	shalt  }
0x65: {  	_ =	shalt  }
0x66: {  	_ =	shalt  }
0x67: {  	_ =	shalt  }
0x68: {  	_ =	shalt  }
0x69: {  	_ =	shalt  }
0x6a: {  	_ =	shalt  }
0x6b: {  	_ =	shalt  }
0x6c: {  	_ =	shalt  }
0x6d: {  	_ =	shalt  }
0x6e: {  	_ =	shalt  }
0x6f: {  	_ =	shalt  }
0x70: {  	_ =	shalt  }
0x71: {  	_ =	shalt  }
0x72: {  	_ =	shalt  }
0x73: {  	_ =	shalt  }
0x74: {  	_ =	shalt  }
0x75: {  	_ =	shalt  }
0x76: {  	_ =	shalt  }
0x77: {  	_ =	shalt  }
0x78: {  	_ =	shalt  }
0x79: {  	_ =	shalt  }
0x7a: {  	_ =	shalt  }
0x7b: {  	_ =	shalt  }
0x7c: {  	_ =	shalt  }
0x7d: {  	_ =	shalt  }
0x7e: {  	_ =	shalt  }
0x7f: {  	_ =	shalt  }
0x80: {  	_ =	shalt  }
0x81: {  	_ =	shalt  }
0x82: {  	_ =	shalt  }
0x83: {  	_ =	shalt  }
0x84: {  	_ =	shalt  }
0x85: {  	_ =	shalt  }
0x86: {  	_ =	shalt  }
0x87: {  	_ =	shalt  }
.Lfunc_end0:
.L_simem_size_0:
called_computation_lowered:
.L_overlay_start_0:
0x88: {  	s2 =	sld [smem:$0x3FD9]  }
0x89: {  	s3 =	sld [smem:$0x3FFE];
	_ =	sdelay $0x1  }
0x8a: {  	s1 =	srdreg.scid  }
0x8b: {  	s0 =	sand.u32 $0x1, s1  }
0x8c: {  	s14 =	sshll.u32 s0, $0xA;
	s2 =	sadd.s32 s3, s2  }
0x8d: {  	s2 =	sadd.s32 s2, s14  }
0x8e: {  	[smem:$0x3FC3] =	sst s2  }
0x8f: {  	_ = 	snop  }
0x90: {  	s2 =	sld [smem:$0x3FD0];
	_ =	sdelay $0x2  }
0x91: {  	s4 =	simm.s32 $0xA;
	s5 =	simm.s32 $0x10;
	s15 =	sld [smem:$0x3FC7]  }
0x92: {  	[smem:s5], [sflag:s4] =	dma.local [hbm:s2], $0x1  }
0x93: {  	_ =	swait.eq [sflag:s4], $0x1  }
0x94: {  	[sflag:s4] =	ssyncset.done $0x0  }
0x95: {  	[sflag:s4] =	ssyncadd.s32 $0xFFFFFFFF  }
0x96: {  	s16 =	sld [smem:$0x11];
	(tm) =	ssettm $0x1  }
0x97: {  	s17 =	sld [smem:$0x3FFB];
	_ =	sdelay $0x3  }
0x98: {  	_ =	strace s17  }
0x99: {  	s4 =	sld [smem:$0x3FFC];
	_ =	sdelay $0x3  }
0x9a: {  	_ =	strace s4  }
0x9b: {  	s4 =	sld [smem:$0x3FFD];
	_ =	sdelay $0x3  }
0x9c: {  	_ =	strace s4  }
0x9d: {  	_ =	strace $0x8FFFFFFF  }
0x9e: {  	s18 =	sld [smem:$0x3FDB];
	_ =	sdelay $0x1  }
0x9f: {  	s19 =	simm.s32 $_scs_section_size  }
0xa0: {  	s6 =	simm.s32 $_size__tile_overlayer_lowered;
	s7 =	simm.s32 $_tile_overlayer_lowered  }
0xa1: {  	s22 =	simm.s32 $0x1BFF;
	s21 =	sshll.u32 s7, $0x1;
	s4 =	sadd.s32 s19, s18  }
0xa2: {  	s8 =	simm.s32 $0x0;
	s20 =	sshll.u32 s6, $0x1;
	s6 =	sadd.s32 s21, s4  }
0xa3: {  	[timem:s8], [sflag:s22] =	dma.local [hbm:s6], s20  }
0xa4: {  	_ =	swait.ge [sflag:s22], s20  }
0xa5: {  	s5 =	ssub.s32 $0x0, s20;
	[sflag:s22] =	ssyncset.done $0x0  }
0xa6: {  	[sflag:s22] =	ssyncadd.s32 s5;
	_ =	sdelay $0x1  }
0xa7: {  	s23 =	simm.s32 $0x1B8B  }
0xa8: {  	_ =	swait.ge [sflag:s23], $0x1  }
0xa9: {  	[sflag:s23] =	ssyncset.done $0x0  }
0xaa: {  	s25 =	simm.s32 $0x1B8E;
	s24 =	sld [smem:$0x3FFE];
	[sflag:s23] =	ssyncadd.s32 $0xFFFFFFFF  }
0xab: {  	s26 =	simm.s32 $execute0_lowered;
	[smem:$0x3FD2] =	sst s25  }
0xac: {  	s6 =	sshll.u32 s26, $0x1;
	_ =	strace $0x80000046;
	[dreg:$0x1] =	wrdreg $0xFFFFFFFF  }
0xad: {  	s28 =	simm.s32 $_size_execute0_lowered;
	s4 =	sadd.s32 s4, s6;
	[dreg:$0x0] =	wrdreg $0x0  }
0xae: {  	s6 =	sshll.u32 s28, $0x1;
	[dreg:$0x2] =	wrdreg s4  }
0xaf: {  	[dreg:$0x3] =	wrdreg s6  }
0xb0: {  	[dreg:$0x4] =	wrdreg $0xC0  }
0xb1: {  	_ =	task [dreg:s8], $0x5FFFF  }
0xb2: {  	[dreg:$0x1] =	wrdreg $0xFFFFFFFF  }
0xb3: {  	[dreg:$0x0] =	wrdreg $0x60  }
0xb4: {  	[dreg:$0x2] =	wrdreg s15  }
0xb5: {  	[dreg:$0x3] =	wrdreg s24  }
0xb6: {  	[dreg:$0x4] =	wrdreg s16  }
0xb7: {  	[dreg:$0x5] =	wrdreg $0x9  }
0xb8: {  	_ =	task.clear_ibuf [dreg:s8], $0x6FFFF;
	_ =	strace $0x90000046  }
0xb9: {  	s29 =	simm.s32 $0x9;
	_ =	strace $0x80000048  }
0xba: {  	_ =	swait.ge [sflag:s29], $0x1  }
0xbb: {  	[sflag:s29] =	ssyncadd.s32 $0xFFFFFFFF  }
0xbc: {  	_ =	strace $0x90000048  }
0xbd: {  	_ =	sfence  }
0xbe: {  	s30 =	sld [smem:$0x0];
	_ =	sdelay $0x2  }
0xbf: {  	s31 =	sshll.u32 s1, $0xD;
	s1 =	sshrl.u32 s1, $0x2  }
0xc0: {  	s3 =	sand.u32 $0x4000, s31;
	s1 =	sadd.s32 s1, s30  }
0xc1: {  	s0 =	sor.u32 s3, s0;
	s1 =	sshll.u32 s1, $0x11  }
0xc2: {  	s0 =	sor.u32 s1, s0  }
0xc3: {  	s0 =	sadd.s32 $0x8F2B, s0  }
0xc4: {  	[sflag:s0] =	ssyncadd.remote.s32 $0x1  }
0xc5: {  	_ =	sfence.sel $0xFFFF  }
0xc6: {  	[dreg:$0x0] =	wrdreg $0xFFFFFFFF;
	(pc) =	sbr.abs _section_cstart, $3  }
0xc7: {  	[dreg:$0x1] =	wrdreg $0xFFFFFFFF  }
0xc8: {  	_ =	task.clear_ibuf [dreg:s8], $0x2FFFF;
	_ =	strace $0x9FFFFFFF  }
0xc9: {  	(tm) =	ssettm $0x7FFFFFFF  }
tec
execute0_lowered:
.L_overlay_start_1:
0x0: {  	(tag) =	ssettag $0x1  }
0x1: {  	s1 =	rddreg [dreg:$0x0]  }
0x2: {  	s0 =	rddreg [dreg:$0x1]  }
0x3: {  	s2 =	rddreg [dreg:$0x2];
	s3 =	simm.s32 $0x0;
	s4 =	srdreg.scid  }
0x4: {  	s10 =	stileid.u32;
	s18 =	simm.s32 $0x80;
	s19 =	simm.s32 $0x400  }
0x5: {  	s20 =	simm.s32 $0xC300;
	s22 =	simm.s32 $0x5;
	s23 =	simm.s32 $0x1  }
0x6: {  	s24 =	simm.s32 $0x2;
	s25 =	simm.s32 $0x18700;
	s29 =	simm.s32 $0x4  }
0x7: {  	s30 =	simm.s32 $0x0;
	[smem:$0x7FF] =	sst s3;
	s5 =	sadd.s32 $0xC00, s0  }
0x8: {  	s6 =	sadd.s32 $0x7DC00, s0;
	s4 =	sand.u32 $0x1, s4;
	s7 =	sadd.s32 $0x7DE00, s0  }
0x9: {  	s28 =	sshll.u32 s10, $0x1;
	s31 =	sshrl.u32 s10, $0x2;
	p0 =	slt.u32 s10, $0x4  }
0xa: {  	_ =	strace $0x80000047;
	[dreg:$0x4] =	wrdreg s6;
	s8 =	sor.u32 s4, s28  }
0xb: {  	s26 =	ssub.s32 $0x2, s4;
	s11 =	smul.u32 $0xC3800, s31;
	s6 =	sshll.u32 s8, $0x7  }
0xc: {  	s4 =	sshll.u32 s31, $0xF;
	s9 =	sshrl.u32 s26, $0x1;
	s10 =	sand.u32 $0x380, s6  }
0xd: {  	s0 =	ssub.s32 s26, s9;
	s6 =	sor.u32 s11, s10;
	s4 =	sor.u32 s4, s10  }
0xe: {  	s0 =	smax.u32 s0, $0x1;
	s11 =	sshrl.u32 s6, $0x3;
	s6 =	sadd.s32 $0x61800, s6  }
0xf: {  	s4 =	sshrl.u32 s4, $0x3;
	[dreg:$0x8] =	wrdreg s0;
	s11 =	sadd.s32 s1, s11  }
0x10: {  	s6 =	sshrl.u32 s6, $0x3;
	s4 =	sadd.s32 s5, s4;
	[dreg:$0x5] =	wrdreg s11  }
0x11: {  	s9 =	simm.s32 $0x20;
	s6 =	sadd.s32 s1, s6;
	[dreg:$0x7] =	wrdreg s4  }
0x12: {  	v0 =	vimm.s32 $0x0;
	s9 =	simm.s32 @!p0 $0x1F;
	s14 =	sor.u32 $0x61800, s10;
	[dreg:$0x6] =	wrdreg s6  }
.LBB2_1:
0x13: {  	s0 =	rddreg [dreg:$0x4];
	s4 =	simm.s32 $0x1A700;
	s17 =	simm.s32 $0x7  }
0x14: {  	[tilespmem:s4], [sflag:$0x7] =	stream.linear.gather [hbm4b:s0+s3], $0x1000, $0x38;
	[tilespmem:$0x1D700] =	vst v63  }
0x15: {  	_ =	swait.ge [sflag:s17], $0x1000  }
0x16: {  	[sflag:s17] =	ssyncset.done $0x0  }
0x17: {  	s21 =	rddreg [dreg:$0x5];
	[sflag:s17] =	ssyncadd.s32 $0xFFFFF000  }
0x18: {  	[tilespmem:s3], [sflag:$0x1] =	stream.strided.gather [hbm4b:s21+s18], $0xC300, s19, s18, $0x38;
	[tilespmem:$0x1D700] =	vst v63  }
0x19: {  	s26 =	rddreg [dreg:$0x6]  }
0x1a: {  	[tilespmem:s20], [sflag:$0x2] =	stream.strided.gather [hbm4b:s26+s18], $0xC400, s19, s18, $0x38;
	[tilespmem:$0x1D700] =	vst v63  }
0x1b: {  	s31 =	simm.s32 $0x19700;
	s0 =	simm.s32 $0x0;
	s28 =	rddreg [dreg:$0x7]  }
0x1c: {  	[tilespmem:s31], [sflag:$0x5] =	stream.strided.gather [hbm4b:s28+s18], $0x1000, s19, s18, $0x38;
	[tilespmem:$0x1D700] =	vst v63  }
0x1d: {  	v1 =	vld [tilespmem:s0+$0x1A700];
	_ =	sdelay $0x4  }
0x1e: {  	vm0 =	vle.s32 v1, $0xFFFFFFFF  }
0x1f: {  	s4 =	simm.s32 $0x10;
	v2 =	vsel vm0, $0xFFFFFFFF, v0  }
0x20: {  	vm1 =	vgt.s32 v1, $0xFFFFFFFF;
	v2 =	vxor.u32 v2, v1;
	v1 =	vld [tilespmem:s4+$0x1A700];
	_ =	sdelay $0x1  }
0x21: {  	vm0 =	vgt.s32 v2, $0x0  }
0x22: {  	vm2 =	vlt.u32 v2, $0xC300;
	v2 =	vnsel vm0, $0x0, v2  }
0x23: {  	s6 =	simm.s32 $0x80;
	v3 =	vsel vm2, $0x10000, v0;
	vm0 =	vmand vm1, vm2;
	v2 =	vmin.u32 v2, $0xC2FF  }
.LBB2_2:
0x24: {  	s11 =	sshra.s32 s6, $0x2;
	p0 =	sne.s32 s6, $0x3FC0;
	s6 =	sadd.s32 $0x40, s6;
	vm1 =	vle.s32 v1, $0xFFFFFFFF;
	v2 =	vor.u32 v3, v2;
	v3 =	vsel vm0, $0x20000, v0;
	v4 =	vmovc v1  }
.Ltmp0:
0x25: {  	v1 =	vld [tilespmem:s11+$0x1A700];
	v5 =	vsel vm1, $0xFFFFFFFF, v0;
	v2 =	vor.u32 v3, v2;
	(pc) =	sbr.rel @p0 .LBB2_2-.Ltmp0, $4  }
0x26: {  	v3 =	vxor.u32 v5, v4;
	[tilespmem:s0+$0x1B700] =	vst v2;
	s0 =	smov.u32 s4;
	s4 =	smov.u32 s11  }
0x27: {  	vm0 =	vgt.s32 v3, $0x0  }
0x28: {  	vm1 =	vgt.s32 v4, $0xFFFFFFFF;
	vm2 =	vlt.u32 v3, $0xC300;
	v2 =	vnsel vm0, $0x0, v3  }
0x29: {  	v3 =	vsel vm2, $0x10000, v0;
	vm0 =	vmand vm1, vm2;
	v2 =	vmin.u32 v2, $0xC2FF  }
0x2a: {  	vm1 =	vle.s32 v1, $0xFFFFFFFF  }
0x2b: {  	v4 =	vsel vm1, $0xFFFFFFFF, v0  }
0x2c: {  	v4 =	vxor.u32 v4, v1  }
0x2d: {  	v2 =	vor.u32 v3, v2;
	v3 =	vsel vm0, $0x20000, v0;
	vm0 =	vgt.s32 v4, $0x0  }
0x2e: {  	vm1 =	vgt.s32 v1, $0xFFFFFFFF;
	v1 =	vnsel vm0, $0x0, v4;
	vm0 =	vlt.u32 v4, $0xC300  }
0x2f: {  	v1 =	vmin.u32 v1, $0xC2FF;
	vm1 =	vmand vm1, vm0;
	v4 =	vsel vm0, $0x10000, v0  }
0x30: {  	v2 =	vor.u32 v3, v2;
	v1 =	vor.u32 v4, v1;
	v3 =	vsel vm1, $0x20000, v0  }
0x31: {  	[tilespmem:s0+$0x1B700] =	vst v2;
	v1 =	vor.u32 v3, v1  }
0x32: {  	s0 =	simm.s32 $0x0;
	[tilespmem:s4+$0x1B700] =	vst v1  }
0x33: {  	v3 =	vld [tilespmem:s0+$0x1A700];
	_ =	sdelay $0x4  }
0x34: {  	vm0 =	vle.s32 v3, $0xFFFFFFFF  }
0x35: {  	v1 =	vsel vm0, $0xFFFFFFFF, v0  }
0x36: {  	s4 =	simm.s32 $0x10;
	v1 =	vxor.u32 v1, v3  }
0x37: {  	v2 =	vadd.s32 $0xFFFF3D00, v1;
	v1 =	vld [tilespmem:s4+$0x1A700];
	_ =	sdelay $0x3  }
0x38: {  	s31 =	simm.s32 $0x0;
	s6 =	simm.s32 $0x80;
	vm0 =	vgt.s32 v3, $0xFFFFFFFF;
	vm1 =	vgt.s32 v2, $0x0  }
.LBB2_4:
0x39: {  	s11 =	sshra.s32 s6, $0x2;
	vm2 =	vle.s32 v1, $0xFFFFFFFF;
	vm3 =	vlt.u32 v2, $0xC3A0;
	v2 =	vnsel vm1, $0x0, v2;
	v3 =	vmovc v1;
	p0 =	sne.s32 s6, $0x3FC0  }
.Ltmp1:
0x3a: {  	s6 =	sadd.s32 $0x40, s6;
	v1 =	vld [tilespmem:s11+$0x1A700];
	v2 =	vmin.u32 v2, $0xC39F;
	v4 =	vsel vm3, $0x10000, v0;
	vm0 =	vmand vm0, vm3;
	(pc) =	sbr.rel @p0 .LBB2_4-.Ltmp1, $4  }
0x3b: {  	v5 =	vsel vm2, $0xFFFFFFFF, v0;
	v2 =	vor.u32 v4, v2;
	v4 =	vsel vm0, $0x20000, v0  }
0x3c: {  	v5 =	vxor.u32 v5, v3;
	v4 =	vor.u32 v4, v2  }
0x3d: {  	v2 =	vadd.s32 $0xFFFF3D00, v5;
	[tilespmem:s0+$0x1C700] =	vst v4;
	s0 =	smov.u32 s4;
	s4 =	smov.u32 s11  }
0x3e: {  	vm0 =	vgt.s32 v3, $0xFFFFFFFF;
	vm1 =	vgt.s32 v2, $0x0  }
0x3f: {  	vm2 =	vle.s32 v1, $0xFFFFFFFF  }
0x40: {  	v3 =	vnsel vm1, $0x0, v2;
	v4 =	vsel vm2, $0xFFFFFFFF, v0  }
0x41: {  	vm11 =	vlt.u32 v2, $0xC3A0;
	v2 =	vmin.u32 v3, $0xC39F;
	v3 =	vxor.u32 v4, v1  }
0x42: {  	vm13 =	vgt.s32 v1, $0xFFFFFFFF;
	v62 =	vsel vm11, $0x10000, v0;
	v3 =	vadd.s32 $0xFFFF3D00, v3  }
0x43: {  	vm0 =	vmand vm0, vm11;
	v2 =	vor.u32 v62, v2;
	vm12 =	vgt.s32 v3, $0x0  }
0x44: {  	v63 =	vsel vm0, $0x20000, v0;
	vm14 =	vlt.u32 v3, $0xC3A0;
	v1 =	vnsel vm12, $0x0, v3  }
0x45: {  	v3 =	vsel vm14, $0x10000, v0;
	vm15 =	vmand vm13, vm14;
	v1 =	vmin.u32 v1, $0xC39F  }
0x46: {  	v2 =	vor.u32 v63, v2;
	v1 =	vor.u32 v3, v1;
	v3 =	vsel vm15, $0x20000, v0  }
0x47: {  	[tilespmem:s0+$0x1C700] =	vst v2;
	v1 =	vor.u32 v3, v1  }
0x48: {  	[tilespmem:s4+$0x1C700] =	vst v1  }
.LBB2_6:
0x49: {  	_ =	swait.ge [sflag:s22], $0x1000  }
0x4a: {  	p0 =	seq.s32 s31, $0x0;
	[sflag:s22] =	ssyncset.done $0x0  }
0x4b: {  	s0 =	simm.s32 @!p0 $0x6;
	[sflag:s22] =	ssyncadd.s32 $0xFFFFF000  }
0x4c: {  	_ =	swait.ge @!p0 [sflag:s0], $0x1000  }
0x4d: {  	[sflag:s0] =	ssyncset.done @!p0 $0x0  }
0x4e: {  	[sflag:s0] =	ssyncadd.s32 @!p0 $0xFFFFF000  }
0x4f: {  	_ =	swait.ge [sflag:s23], $0xC300  }
0x50: {  	[sflag:s23] =	ssyncset.done $0x0  }
0x51: {  	s21 =	simm.s32 $0x0;
	[sflag:s23] =	ssyncadd.s32 $0xFFFF3D00  }
0x52: {  	v1 =	vld [tilespmem:s21+$0x1B700];
	_ =	sdelay $0x4  }
0x53: {  	s16 =	simm.s32 $0x10;
	v2 =	vand.u32 $0x10000, v1  }
0x54: {  	v3 =	vld [tilespmem:s16+$0x1B700];
	vm1 =	vne.s32 v2, $0x0  }
0x55: {  	v2 =	vand.u32 $0xFFFF, v1  }
0x56: {  	s28 =	sshll.u32 s31, $0x5  }
0x57: {  	s0 =	sor.u32 s8, s28  }
0x58: {  	s12 =	simm.s32 $0x20;
	s13 =	simm.s32 $0x0;
	s6 =	sshrl.u32 s0, $0x3  }
0x59: {  	s11 =	simm.s32 $0x80;
	s17 =	simm.s32 $0xC0;
	s4 =	sshll.u32 s6, $0xF;
	v4 =	vand.u32 $0x10000, v3;
	v1 =	vld [tilespmem:s12+$0x1B700]  }
0x5a: {  	s26 =	simm.s32 $0x0;
	s15 =	simm.s32 $0x10;
	s4 =	sor.u32 s10, s4;
	v3 =	vand.u32 $0xFFFF, v3;
	vm0 =	vne.s32 v4, $0x0;
	v2 =	vld.idx.msk [tilespmem:v2+s13+$0x0], vm1  }
.LBB2_7:
0x5b: {  	p0 =	sne.s32 s17, $0x3FC0  }
.Ltmp2:
0x5c: {  	_ = 	snop;
	(pc) =	sbr.rel @p0 .LBB2_7-.Ltmp2, $4  }
0x5d: {  	_ = 	snop  }
0x5e: {  	s28 =	sshra.s32 s17, $0x2;
	v4 =	vmov v1  }
0x5f: {  	s17 =	sadd.s32 $0x40, s17;
	v1 =	vld [tilespmem:s28+$0x1B700];
	v5 =	vand.u32 $0x10000, v4;
	[tilespmem:s26+$0x18700] =	vst v2  }
0x60: {  	s26 =	smov.u32 s15;
	s15 =	smov.u32 s12;
	s12 =	smov.u32 s28;
	v2 =	vld.idx.msk [tilespmem:v3+s13+$0x0], vm0;
	vm0 =	vne.s32 v5, $0x0;
	v3 =	vand.u32 $0xFFFF, v4  }
0x61: {  	_ =	sdelay $0x2  }
0x62: {  	v4 =	vand.u32 $0x10000, v1  }
0x63: {  	vm1 =	vne.s32 v4, $0x0  }
0x64: {  	v1 =	vand.u32 $0xFFFF, v1;
	_ =	sdelay $0x3  }
0x65: {  	v3 =	vld.idx.msk [tilespmem:v3+s13+$0x0], vm0  }
0x66: {  	v1 =	vld.idx.msk [tilespmem:v1+s13+$0x0], vm1;
	_ =	sdelay $0x2  }
0x67: {  	[tilespmem:s26+$0x18700] =	vst v2  }
0x68: {  	[tilespmem:s15+$0x18700] =	vst v3  }
0x69: {  	[tilespmem:s12+$0x18700] =	vst v1  }
0x6a: {  	v3 =	vld [tilespmem:s21+$0x1B700];
	_ =	sdelay $0x4  }
0x6b: {  	v2 =	vand.u32 $0x20000, v3  }
0x6c: {  	v1 =	vld [tilespmem:s16+$0x1B700];
	vm0 =	vne.s32 v2, $0x0  }
0x6d: {  	v3 =	vand.u32 $0xFFFF, v3;
	v2 =	vld [tilespmem:s21+$0x19700]  }
.LBB2_9:
0x6e: {  	p0 =	sne.s32 s11, $0x3FC0  }
.Ltmp3:
0x6f: {  	_ = 	snop;
	(pc) =	sbr.rel @p0 .LBB2_9-.Ltmp3, $4  }
0x70: {  	_ = 	snop  }
0x71: {  	s12 =	sshra.s32 s11, $0x2;
	s11 =	sadd.s32 $0x40, s11;
	v4 =	vand.u32 $0x20000, v1;
	v5 =	vmov v1  }
0x72: {  	v1 =	vld [tilespmem:s12+$0x1B700];
	[tilespmem:v3+s3+$0x0] =	vst.idx.msk vm0, v2;
	vm0 =	vne.s32 v4, $0x0  }
0x73: {  	v3 =	vand.u32 $0xFFFF, v5;
	v2 =	vld [tilespmem:s16+$0x19700];
	s16 =	smov.u32 s12  }
0x74: {  	_ =	sdelay $0x2  }
0x75: {  	v4 =	vand.u32 $0x20000, v1  }
0x76: {  	vm1 =	vne.s32 v4, $0x0  }
0x77: {  	v1 =	vand.u32 $0xFFFF, v1;
	v4 =	vld [tilespmem:s16+$0x19700]  }
0x78: {  	s16 =	smul.u32 $0xC3800, s6;
	_ =	sdelay $0x1  }
0x79: {  	s6 =	sor.u32 s10, s16  }
0x7a: {  	[tilespmem:v3+s3+$0x0] =	vst.idx.msk vm0, v2;
	s6 =	sshrl.u32 s6, $0x3  }
0x7b: {  	s11 =	simm.s32 $0x0;
	s6 =	sadd.s32 s2, s6;
	[tilespmem:v1+s3+$0x0] =	vst.idx.msk vm1, v4  }
0x7c: {  	[hbm4b:s6+s18] =	stream.strided.scatter [tilespmem:s11], [sflag:$0x3], $0xC300, s19, s18, $0x38;
	[tilespmem:$0x1D700] =	vst v63  }
0x7d: {  	_ =	swait.ge [sflag:s24], $0xC400  }
0x7e: {  	[sflag:s24] =	ssyncset.done $0x0  }
0x7f: {  	s11 =	simm.s32 $0x0;
	[sflag:s24] =	ssyncadd.s32 $0xFFFF3C00  }
0x80: {  	v1 =	vld [tilespmem:s11+$0x1C700];
	_ =	sdelay $0x3  }
0x81: {  	s21 =	simm.s32 $0x10  }
0x82: {  	v3 =	vld [tilespmem:s21+$0x1C700];
	v2 =	vand.u32 $0x10000, v1  }
0x83: {  	vm1 =	vne.s32 v2, $0x0  }
0x84: {  	v1 =	vand.u32 $0xFFFF, v1;
	_ =	sdelay $0x1  }
0x85: {  	s12 =	simm.s32 $0x20  }
0x86: {  	v4 =	vand.u32 $0x10000, v3;
	v2 =	vld [tilespmem:s12+$0x1C700]  }
0x87: {  	s17 =	simm.s32 $0xC0;
	vm0 =	vne.s32 v4, $0x0;
	v4 =	vand.u32 $0xFFFF, v3;
	v3 =	vld [tilespmem:s11+$0x18700]  }
0x88: {  	s13 =	simm.s32 $0x10;
	s15 =	simm.s32 $0x0;
	s6 =	simm.s32 $0x80;
	v1 =	vld.idx.msk [tilespmem:v1+s20+$0x0], vm1;
	vm1 =	vmmov vm1  }
.LBB2_11:
0x89: {  	_ = 	snop  }
0x8a: {  	p0 =	sne.s32 s17, $0x3FC0  }
.Ltmp4:
0x8b: {  	_ = 	snop;
	(pc) =	sbr.rel @p0 .LBB2_11-.Ltmp4, $4  }
0x8c: {  	s26 =	sshra.s32 s17, $0x2  }
0x8d: {  	v5 =	vmov v2;
	v2 =	vld [tilespmem:s26+$0x1C700]  }
0x8e: {  	s17 =	sadd.s32 $0x40, s17;
	v7 =	vsel vm1, v1, v3;
	v1 =	vld.idx.msk [tilespmem:v4+s20+$0x0], vm0;
	v6 =	vand.u32 $0x10000, v5  }
0x8f: {  	vm1 =	vmmov vm0;
	v3 =	vld [tilespmem:s13+$0x18700];
	v4 =	vand.u32 $0xFFFF, v5;
	[tilespmem:s15+$0x18700] =	vst v7;
	s15 =	smov.u32 s13;
	s13 =	smov.u32 s12;
	s12 =	smov.u32 s26;
	vm0 =	vne.s32 v6, $0x0  }
0x90: {  	_ =	sdelay $0x1  }
0x91: {  	v5 =	vand.u32 $0x10000, v2  }
0x92: {  	vm2 =	vne.s32 v5, $0x0  }
0x93: {  	v2 =	vand.u32 $0xFFFF, v2;
	_ =	sdelay $0x1  }
0x94: {  	v4 =	vld.idx.msk [tilespmem:v4+s20+$0x0], vm0  }
0x95: {  	v6 =	vld [tilespmem:s12+$0x18700]  }
0x96: {  	v5 =	vld [tilespmem:s13+$0x18700]  }
0x97: {  	v2 =	vld.idx.msk [tilespmem:v2+s20+$0x0], vm2;
	_ =	sdelay $0x2  }
0x98: {  	vm0 =	vmmov vm0;
	v1 =	vsel vm1, v1, v3  }
0x99: {  	[tilespmem:s15+$0x18700] =	vst v1;
	v1 =	vsel vm0, v4, v5;
	vm0 =	vmmov vm2  }
0x9a: {  	[tilespmem:s13+$0x18700] =	vst v1;
	v1 =	vsel vm0, v2, v6  }
0x9b: {  	[tilespmem:s12+$0x18700] =	vst v1  }
0x9c: {  	v3 =	vld [tilespmem:s11+$0x1C700];
	_ =	sdelay $0x4  }
0x9d: {  	v2 =	vand.u32 $0x20000, v3  }
0x9e: {  	v1 =	vld [tilespmem:s21+$0x1C700];
	vm0 =	vne.s32 v2, $0x0  }
0x9f: {  	v3 =	vand.u32 $0xFFFF, v3;
	v2 =	vld [tilespmem:s11+$0x19700]  }
.LBB2_13:
0xa0: {  	p0 =	sne.s32 s6, $0x3FC0  }
.Ltmp5:
0xa1: {  	_ = 	snop;
	(pc) =	sbr.rel @p0 .LBB2_13-.Ltmp5, $4  }
0xa2: {  	_ = 	snop  }
0xa3: {  	s11 =	sshra.s32 s6, $0x2;
	s6 =	sadd.s32 $0x40, s6;
	v4 =	vand.u32 $0x20000, v1;
	v5 =	vmov v1  }
0xa4: {  	v1 =	vld [tilespmem:s11+$0x1C700];
	[tilespmem:v3+s20+$0x0] =	vst.idx.msk vm0, v2;
	vm0 =	vne.s32 v4, $0x0  }
0xa5: {  	v3 =	vand.u32 $0xFFFF, v5;
	v2 =	vld [tilespmem:s21+$0x19700];
	s21 =	smov.u32 s11  }
0xa6: {  	_ =	sdelay $0x2  }
0xa7: {  	v4 =	vand.u32 $0x20000, v1  }
0xa8: {  	vm1 =	vne.s32 v4, $0x0  }
0xa9: {  	v63 =	vld [tilespmem:s21+$0x19700];
	v1 =	vand.u32 $0xFFFF, v1;
	_ =	sdelay $0x2  }
0xaa: {  	s6 =	sadd.s32 s14, s16;
	s31 =	sadd.s32 $0x1, s31  }
0xab: {  	s6 =	sshrl.u32 s6, $0x3;
	p0 =	sge.u32 s31, s9;
	[tilespmem:v3+s20+$0x0] =	vst.idx.msk vm0, v2  }
0xac: {  	s4 =	sshrl.u32 s4, $0x3;
	s6 =	sadd.s32 s2, s6;
	s0 =	sshrl.u32 @!p0 s0, $0x3;
	[tilespmem:v1+s20+$0x0] =	vst.idx.msk vm1, v63  }
0xad: {  	[hbm4b:s6+s18] =	stream.strided.scatter [tilespmem:s20], [sflag:$0x4], $0xC400, s19, s18, $0x38;
	[tilespmem:$0x1D700] =	vst v63  }
0xae: {  	s4 =	sadd.s32 s7, s4;
	s0 =	sadd.s32 @!p0 $0x4, s0  }
0xaf: {  	[hbm4b:s4+s18] =	stream.strided.scatter [tilespmem:s25], [sflag:$0x6], $0x1000, s19, s18, $0x38;
	[tilespmem:$0x1D700] =	vst v63  }
0xb0: {  	s4 =	sshll.u32 @!p0 s0, $0xF  }
0xb1: {  	s4 =	sor.u32 @!p0 s10, s4  }
0xb2: {  	s11 =	simm.s32 @!p0 $0x400;
	s12 =	simm.s32 @!p0 $0x19700;
	s4 =	sshrl.u32 @!p0 s4, $0x3  }
0xb3: {  	s6 =	simm.s32 @!p0 $0x80;
	s0 =	smul.u32 @!p0 $0xC3800, s0;
	s4 =	sadd.s32 @!p0 s5, s4  }
0xb4: {  	[tilespmem:s12], [sflag:$0x5] =	stream.strided.gather @!p0 [hbm4b:s4+s6], $0x1000, s11, s6, $0x38;
	[tilespmem:$0x1D700] =	vst v63  }
0xb5: {  	s4 =	simm.s32 @!p0 $0x3  }
0xb6: {  	s12 =	sor.u32 @!p0 s10, s0;
	_ =	swait.ge @!p0 [sflag:s4], $0xC300  }
0xb7: {  	s12 =	sshrl.u32 @!p0 s12, $0x3;
	[sflag:s4] =	ssyncset.done @!p0 $0x0  }
0xb8: {  	[sflag:s4] =	ssyncadd.s32 @!p0 $0xFFFF3D00;
	s4 =	sadd.s32 @!p0 s1, s12;
	s12 =	simm.s32 @!p0 $0x0  }
0xb9: {  	[tilespmem:s12], [sflag:$0x1] =	stream.strided.gather @!p0 [hbm4b:s4+s6], $0xC300, s11, s6, $0x38;
	[tilespmem:$0x1D700] =	vst v63  }
0xba: {  	s4 =	simm.s32 @!p0 $0x4  }
0xbb: {  	s0 =	sadd.s32 @!p0 s14, s0;
	_ =	swait.ge @!p0 [sflag:s4], $0xC400  }
0xbc: {  	s0 =	sshrl.u32 @!p0 s0, $0x3;
	[sflag:s4] =	ssyncset.done @!p0 $0x0  }
0xbd: {  	s0 =	sadd.s32 @!p0 s1, s0;
	[sflag:s4] =	ssyncadd.s32 @!p0 $0xFFFF3C00;
	s4 =	simm.s32 @!p0 $0xC300  }
0xbe: {  	[tilespmem:s4], [sflag:$0x2] =	stream.strided.gather @!p0 [hbm4b:s0+s6], $0xC400, s11, s6, $0x38;
	[tilespmem:$0x1D700] =	vst v63  }
0xbf: {  	p0 =	sne.s32 s31, s9  }
.Ltmp6:
0xc0: {  	_ = 	snop;
	(pc) =	sbr.rel @p0 .LBB2_6-.Ltmp6, $1  }
0xc1: {  	_ =	sdelay $0x3  }
0xc2: {  	s0 =	simm.s32 $0x6  }
0xc3: {  	_ =	swait.ge [sflag:s0], $0x1000  }
0xc4: {  	[sflag:s0] =	ssyncset.done $0x0  }
0xc5: {  	s28 =	simm.s32 $0x3;
	[sflag:s0] =	ssyncadd.s32 $0xFFFFF000  }
0xc6: {  	_ =	swait.ge [sflag:s28], $0xC300  }
0xc7: {  	[sflag:s28] =	ssyncset.done $0x0  }
0xc8: {  	[sflag:s28] =	ssyncadd.s32 $0xFFFF3D00  }
0xc9: {  	_ =	swait.ge [sflag:s29], $0xC400  }
0xca: {  	s30 =	sadd.s32 $0x1, s30;
	s31 =	rddreg [dreg:$0x8]  }
0xcb: {  	p0 =	sne.s32 s30, s31  }
.Ltmp7:
0xcc: {  	_ = 	snop;
	(pc) =	sbr.rel @p0 .LBB2_1-.Ltmp7, $3  }
0xcd: {  	_ =	sdelay $0x1  }
0xce: {  	[sflag:s29] =	ssyncset.done $0x0  }
0xcf: {  	[sflag:s29] =	ssyncadd.s32 $0xFFFF3C00  }
0xd0: {  	_ =	sfence.sel $0x180000  }
0xd1: {  	[bflag:$0x0] =	sbarrier.arrive $0xFFFF  }
0xd2: {  	_ =	strace $0x90000047  }
0xd3: {  	s0 =	stileid.u32;
	[bflag:$0x2] =	sbarrier.arrive $0xFFFF  }
0xd4: {  	p0 =	sne.s32 s0, $0x0;
	s0 =	rddreg [dreg:$0x3]  }
0xd5: {  	s0 =	sadd.s32 @!p0 $0x100000, s0  }
0xd6: {  	[sflag:s0] =	ssyncadd.tile.s32 @!p0 $0x1;
	_ =	shalt  }
.Lfunc_end2:
_tile_overlayer_lowered:
.L_overlay_start_2:
0xd7: {  	(tag) =	ssettag $0x2  }
0xd8: {  	s0 =	rddreg [dreg:$0x0];
	s2 =	stileid.u32  }
0xd9: {  	s1 =	rddreg [dreg:$0x1];
	p0 =	sne.s32 s2, $0x0  }
0xda: {  	s3 =	rddreg [dreg:$0x2];
	[bflag:$0x3] =	sbarrier.arrive $0xFFFF;
	s2 =	simm.s32 @!p0 $0x1C07  }
0xdb: {  	[timem:s3], [sflag:s2] =	dma.local @!p0 [hbm:s0], s1  }
0xdc: {  	s0 =	simm.s32 @!p0 $0x7  }
0xdd: {  	_ =	swait.ge @!p0 [sflag:s0], s1  }
0xde: {  	s1 =	ssub.s32 @!p0 $0x0, s1;
	[sflag:s0] =	ssyncset.done @!p0 $0x0  }
0xdf: {  	[sflag:s0] =	ssyncadd.s32 @!p0 s1  }
0xe0: {  	[bflag:$0x3] =	sbarrier.arrive $0xFFFF  }
0xe1: {  	_ =	shalt  }

</sc_bundles>
